<compile_context>
chip_gen: v7x
topology: tpu7x:2x2x1
jax: 0.10.2.dev20260603
libtpu: 0.0.44.dev20260713+nightly
codegen_flags: <defaults>
</compile_context>

<pallas_src>
import functools

import jax
import jax.numpy as jnp
from jax.experimental import pallas as pl
from jax.experimental.pallas import tpu as pltpu
from jax.experimental.pallas import tpu_sc as plsc

S = 2048
D = 1024
NH = 16
DH = 64
WIN = 512
NPOOL = 192
POOLED = NPOOL * 8
TK = 64
NEG = -1000000000.0
SCALE = 1.0 / 8.0
F32 = jnp.float32
BF16 = jnp.bfloat16

QBLK = 256
CQBLK = 512
PBLK = 256


def _proj_kernel(x_ref, wqkv_ref, wcq_ref, wtq_ref, wimp_ref, bqkv_ref,
                 bcq_ref, btq_ref, bimp_ref,
                 qkv_ref, cq_ref, tq_ref, imp_ref):
    xb = x_ref[...]
    qkv_ref[...] = (
        jnp.dot(xb, wqkv_ref[...], preferred_element_type=F32) + bqkv_ref[...]
    ).astype(BF16)
    cq_ref[...] = (
        jnp.dot(xb, wcq_ref[...], preferred_element_type=F32) + bcq_ref[...]
    ).astype(BF16)
    tq_ref[...] = (
        jnp.dot(xb, wtq_ref[...], preferred_element_type=F32) + btq_ref[...]
    ).astype(BF16)
    imp_ref[...] = (
        jnp.dot(xb, wimp_ref[...], preferred_element_type=F32) + bimp_ref[...]
    )


def _pool_ckcv_kernel(a_ref, x_ref, w_ref, b_ref, o_ref):
    comp = jnp.dot(a_ref[...], x_ref[...], preferred_element_type=F32)
    o_ref[...] = (
        jnp.dot(comp, w_ref[...], preferred_element_type=F32) + b_ref[...]
    ).astype(BF16)


def _rank_kernel(impc_ref, impr_ref, o_ref):
    p = pl.program_id(0)
    ic = impc_ref[...]
    ir = impr_ref[...]
    gt = (ir > ic).astype(F32)
    jj = jax.lax.broadcasted_iota(jnp.int32, (QBLK, S), 1)
    ii = p * QBLK + jax.lax.broadcasted_iota(jnp.int32, (QBLK, S), 0)
    eq = ((ir == ic) & (jj < ii)).astype(F32)
    o_ref[...] = jnp.sum(gt + eq, axis=1, keepdims=True)


def _tidx_kernel(rank_ref, tidx_ref):
    r = rank_ref[...]
    rows = jax.lax.broadcasted_iota(jnp.int32, (TK, S), 0).astype(F32)
    P = (r == rows).astype(F32)
    cols = jax.lax.broadcasted_iota(jnp.int32, (TK, S), 1).astype(F32)
    tidx_ref[...] = jnp.sum(P * cols, axis=1, keepdims=True)


GATHER_W = 8
GATHER_ROWS = TK // GATHER_W


def _sc_gather_kernel(x_hbm, idx_hbm, out_hbm, idx_v, rows_v, sem):
    wid = jax.lax.axis_index("s") * 2 + jax.lax.axis_index("c")

    @pl.when(wid < GATHER_W)
    def _():
        base = wid * GATHER_ROWS
        pltpu.sync_copy(idx_hbm.at[pl.ds(base, GATHER_ROWS)], idx_v)
        pltpu.async_copy(x_hbm.at[idx_v], rows_v, sem).wait()
        pltpu.sync_copy(rows_v, out_hbm.at[pl.ds(base, GATHER_ROWS)])


@functools.partial(
    pl.kernel,
    mesh=plsc.VectorSubcoreMesh(core_axis_name="c", subcore_axis_name="s"),
    out_type=jax.ShapeDtypeStruct((TK, D), F32),
    scratch_types=[
        pltpu.VMEM((GATHER_ROWS,), jnp.int32),
        pltpu.VMEM((GATHER_ROWS, D), F32),
        pltpu.SemaphoreType.DMA,
    ],
)
def _sc_gather(x_hbm, idx_hbm, out_hbm, idx_v, rows_v, sem):
    _sc_gather_kernel(x_hbm, idx_hbm, out_hbm, idx_v, rows_v, sem)


def _tkv_kernel(sel_ref, w_ref, b_ref, o_ref):
    o_ref[...] = (
        jnp.dot(sel_ref[...], w_ref[...], preferred_element_type=F32) + b_ref[...]
    ).astype(BF16)


def _softmax(s):
    m = jnp.max(s, axis=-1, keepdims=True)
    e = jnp.exp(s - m)
    return e / jnp.sum(e, axis=-1, keepdims=True)


def _local_attn_kernel(q_ref, k0_ref, k1_ref, k2_ref, v0_ref, v1_ref, v2_ref, o_ref):
    i = pl.program_id(1)
    q = q_ref[...]
    krefs = (k0_ref, k1_ref, k2_ref)
    vrefs = (v0_ref, v1_ref, v2_ref)
    base = (jax.lax.broadcasted_iota(jnp.int32, (QBLK, QBLK), 0)
            - jax.lax.broadcasted_iota(jnp.int32, (QBLK, QBLK), 1))
    bias0 = jnp.where((i >= 2) & (base + 2 * QBLK < WIN), 0.0, NEG)
    bias1 = jnp.where(i >= 1, 0.0, NEG)
    bias2 = jnp.where(base >= 0, 0.0, NEG)
    halves = []
    for h in range(2):
        qa = q[:, h * DH:(h + 1) * DH] * jnp.asarray(SCALE, BF16)
        kb0 = krefs[0][...][:, h * DH:(h + 1) * DH]
        kb1 = krefs[1][...][:, h * DH:(h + 1) * DH]
        kb2 = krefs[2][...][:, h * DH:(h + 1) * DH]
        dn = (((1,), (1,)), ((), ()))
        e0 = jnp.exp(jax.lax.dot_general(qa, kb0, dn, preferred_element_type=F32)
                     + bias0)
        e1 = jnp.exp(jax.lax.dot_general(qa, kb1, dn, preferred_element_type=F32)
                     + bias1)
        e2 = jnp.exp(jax.lax.dot_general(qa, kb2, dn, preferred_element_type=F32)
                     + bias2)
        denom = (jnp.sum(e0, axis=1, keepdims=True)
                 + jnp.sum(e1, axis=1, keepdims=True)
                 + jnp.sum(e2, axis=1, keepdims=True))
        acc = jnp.dot(e0, vrefs[0][...][:, h * DH:(h + 1) * DH],
                      preferred_element_type=F32)
        acc += jnp.dot(e1, vrefs[1][...][:, h * DH:(h + 1) * DH],
                       preferred_element_type=F32)
        acc += jnp.dot(e2, vrefs[2][...][:, h * DH:(h + 1) * DH],
                       preferred_element_type=F32)
        halves.append(acc / denom)
    o_ref[...] = jnp.concatenate(halves, axis=1).astype(BF16)


def _ctattn_kernel(cq_ref, tq_ref, ck_ref, cv_ref, tk_ref, tv_ref, tpos_ref,
                   co_ref, to_ref):
    iq = pl.program_id(1)
    cq = cq_ref[...]
    tq = tq_ref[...]
    qi_c = iq * CQBLK + jax.lax.broadcasted_iota(jnp.int32, (CQBLK, NPOOL), 0)
    pend = (jax.lax.broadcasted_iota(jnp.int32, (CQBLK, NPOOL), 1) + 1) * 8
    cmask = qi_c >= pend
    qi_t = iq * CQBLK + jax.lax.broadcasted_iota(jnp.int32, (CQBLK, TK), 0)
    tmask = qi_t.astype(F32) >= tpos_ref[...]
    chalves, thalves = [], []
    sc = jnp.asarray(SCALE, BF16)
    dn = (((1,), (1,)), ((), ()))
    for h in range(2):
        sl = slice(h * DH, (h + 1) * DH)
        s = jnp.where(cmask, jax.lax.dot_general(
            cq[:, sl] * sc, ck_ref[...][:, sl], dn, preferred_element_type=F32
        ), NEG)
        e = jnp.exp(s - jnp.max(s, axis=1, keepdims=True))
        num = jnp.dot(e, cv_ref[...][:, sl], preferred_element_type=F32)
        chalves.append(num / jnp.sum(e, axis=1, keepdims=True))
        st = jnp.where(tmask, jax.lax.dot_general(
            tq[:, sl] * sc, tk_ref[...][:, sl], dn, preferred_element_type=F32
        ), NEG)
        et = jnp.exp(st - jnp.max(st, axis=1, keepdims=True))
        numt = jnp.dot(et, tv_ref[...][:, sl], preferred_element_type=F32)
        thalves.append(numt / jnp.sum(et, axis=1, keepdims=True))
    co_ref[...] = jnp.concatenate(chalves, axis=1).astype(BF16)
    to_ref[...] = jnp.concatenate(thalves, axis=1).astype(BF16)


def _combine_kernel(x_ref, loc_ref, co_ref, to_ref,
                    wl_ref, bl_ref, wc_ref, bc_ref, wt_ref, bt_ref,
                    wgc_ref, bgc_ref, wgt_ref, bgt_ref, o_ref):
    xb = x_ref[...]
    out = jnp.dot(loc_ref[...], wl_ref[...], preferred_element_type=F32) + bl_ref[...]
    gc = jax.nn.sigmoid(
        jnp.dot(xb, wgc_ref[...], preferred_element_type=F32) + bgc_ref[...]
    )
    cproj = jnp.dot(co_ref[...], wc_ref[...], preferred_element_type=F32) + bc_ref[...]
    out += gc * cproj
    gt = jax.nn.sigmoid(
        jnp.dot(xb, wgt_ref[...], preferred_element_type=F32) + bgt_ref[...]
    )
    tproj = jnp.dot(to_ref[...], wt_ref[...], preferred_element_type=F32) + bt_ref[...]
    out += gt * tproj
    o_ref[...] = out


def kernel(x, W_qkv, b_qkv, W_lout, b_lout, W_cq, b_cq, W_ck, b_ck, W_cv, b_cv,
           W_cout, b_cout, W_gc, b_gc, W_imp, b_imp, W_tq, b_tq, W_tk, b_tk,
           W_tv, b_tv, W_tout, b_tout, W_gt, b_gt):
    x2 = x.reshape(S, D)

    qkv, cq, tq, imp = pl.pallas_call(
        _proj_kernel,
        grid=(S // PBLK,),
        in_specs=[
            pl.BlockSpec((PBLK, D), lambda m: (m, 0)),
            pl.BlockSpec((D, 3 * D), lambda m: (0, 0)),
            pl.BlockSpec((D, D), lambda m: (0, 0)),
            pl.BlockSpec((D, D), lambda m: (0, 0)),
            pl.BlockSpec((D, 1), lambda m: (0, 0)),
            pl.BlockSpec((1, 3 * D), lambda m: (0, 0)),
            pl.BlockSpec((1, D), lambda m: (0, 0)),
            pl.BlockSpec((1, D), lambda m: (0, 0)),
            pl.BlockSpec((1, 1), lambda m: (0, 0)),
        ],
        out_specs=[
            pl.BlockSpec((PBLK, 3 * D), lambda m: (m, 0)),
            pl.BlockSpec((PBLK, D), lambda m: (m, 0)),
            pl.BlockSpec((PBLK, D), lambda m: (m, 0)),
            pl.BlockSpec((PBLK, 1), lambda m: (m, 0)),
        ],
        out_shape=[
            jax.ShapeDtypeStruct((S, 3 * D), BF16),
            jax.ShapeDtypeStruct((S, D), BF16),
            jax.ShapeDtypeStruct((S, D), BF16),
            jax.ShapeDtypeStruct((S, 1), F32),
        ],
    )(x2, W_qkv, W_cq, W_tq, W_imp,
      b_qkv.reshape(1, -1), b_cq.reshape(1, -1), b_tq.reshape(1, -1),
      b_imp.reshape(1, 1))

    rank = pl.pallas_call(
        _rank_kernel,
        grid=(S // QBLK,),
        in_specs=[
            pl.BlockSpec((QBLK, 1), lambda p: (p, 0)),
            pl.BlockSpec((1, S), lambda p: (0, 0)),
        ],
        out_specs=pl.BlockSpec((QBLK, 1), lambda p: (p, 0)),
        out_shape=jax.ShapeDtypeStruct((S, 1), F32),
    )(imp, imp.reshape(1, S))

    tidx = pl.pallas_call(
        _tidx_kernel,
        grid=(1,),
        in_specs=[pl.BlockSpec((1, S), lambda g: (0, 0))],
        out_specs=pl.BlockSpec((TK, 1), lambda g: (0, 0)),
        out_shape=jax.ShapeDtypeStruct((TK, 1), F32),
    )(rank.reshape(1, S))

    sel = _sc_gather(x2, tidx.reshape(TK).astype(jnp.int32))

    w_tkv = jnp.concatenate([W_tk, W_tv], axis=1)
    b_tkv = jnp.concatenate([b_tk, b_tv]).reshape(1, -1)
    tkv = pl.pallas_call(
        _tkv_kernel,
        grid=(1,),
        in_specs=[
            pl.BlockSpec((TK, D), lambda g: (0, 0)),
            pl.BlockSpec((D, 2 * D), lambda g: (0, 0)),
            pl.BlockSpec((1, 2 * D), lambda g: (0, 0)),
        ],
        out_specs=pl.BlockSpec((TK, 2 * D), lambda g: (0, 0)),
        out_shape=jax.ShapeDtypeStruct((TK, 2 * D), BF16),
    )(sel, w_tkv, b_tkv)

    pool_a = jnp.repeat(jnp.eye(NPOOL, dtype=F32), 8, axis=1) * 0.125
    w_ckv = jnp.concatenate([W_ck, W_cv], axis=1)
    b_ckv = jnp.concatenate([b_ck, b_cv]).reshape(1, -1)
    ckcv = pl.pallas_call(
        _pool_ckcv_kernel,
        grid=(1,),
        in_specs=[
            pl.BlockSpec((NPOOL, POOLED), lambda g: (0, 0)),
            pl.BlockSpec((POOLED, D), lambda g: (0, 0)),
            pl.BlockSpec((D, 2 * D), lambda g: (0, 0)),
            pl.BlockSpec((1, 2 * D), lambda g: (0, 0)),
        ],
        out_specs=pl.BlockSpec((NPOOL, 2 * D), lambda g: (0, 0)),
        out_shape=jax.ShapeDtypeStruct((NPOOL, 2 * D), BF16),
    )(pool_a, x2, w_ckv, b_ckv)

    nhp = NH // 2
    local = pl.pallas_call(
        _local_attn_kernel,
        grid=(nhp, S // QBLK),
        in_specs=[
            pl.BlockSpec((QBLK, 128), lambda hp, i: (i, hp)),
            pl.BlockSpec((QBLK, 128), lambda hp, i: (jnp.maximum(i - 2, 0), 8 + hp)),
            pl.BlockSpec((QBLK, 128), lambda hp, i: (jnp.maximum(i - 1, 0), 8 + hp)),
            pl.BlockSpec((QBLK, 128), lambda hp, i: (i, 8 + hp)),
            pl.BlockSpec((QBLK, 128), lambda hp, i: (jnp.maximum(i - 2, 0), 16 + hp)),
            pl.BlockSpec((QBLK, 128), lambda hp, i: (jnp.maximum(i - 1, 0), 16 + hp)),
            pl.BlockSpec((QBLK, 128), lambda hp, i: (i, 16 + hp)),
        ],
        out_specs=pl.BlockSpec((QBLK, 128), lambda hp, i: (i, hp)),
        out_shape=jax.ShapeDtypeStruct((S, D), BF16),
    )(qkv, qkv, qkv, qkv, qkv, qkv, qkv)

    cout, tout = pl.pallas_call(
        _ctattn_kernel,
        grid=(nhp, S // CQBLK),
        in_specs=[
            pl.BlockSpec((CQBLK, 128), lambda hp, i: (i, hp)),
            pl.BlockSpec((CQBLK, 128), lambda hp, i: (i, hp)),
            pl.BlockSpec((NPOOL, 128), lambda hp, i: (0, hp)),
            pl.BlockSpec((NPOOL, 128), lambda hp, i: (0, 8 + hp)),
            pl.BlockSpec((TK, 128), lambda hp, i: (0, hp)),
            pl.BlockSpec((TK, 128), lambda hp, i: (0, 8 + hp)),
            pl.BlockSpec((1, TK), lambda hp, i: (0, 0)),
        ],
        out_specs=[
            pl.BlockSpec((CQBLK, 128), lambda hp, i: (i, hp)),
            pl.BlockSpec((CQBLK, 128), lambda hp, i: (i, hp)),
        ],
        out_shape=[
            jax.ShapeDtypeStruct((S, D), BF16),
            jax.ShapeDtypeStruct((S, D), BF16),
        ],
    )(cq, tq, ckcv, ckcv, tkv, tkv, tidx.reshape(1, TK))

    out = pl.pallas_call(
        _combine_kernel,
        grid=(S // PBLK,),
        in_specs=[
            pl.BlockSpec((PBLK, D), lambda m: (m, 0)),
            pl.BlockSpec((PBLK, D), lambda m: (m, 0)),
            pl.BlockSpec((PBLK, D), lambda m: (m, 0)),
            pl.BlockSpec((PBLK, D), lambda m: (m, 0)),
            pl.BlockSpec((D, D), lambda m: (0, 0)),
            pl.BlockSpec((1, D), lambda m: (0, 0)),
            pl.BlockSpec((D, D), lambda m: (0, 0)),
            pl.BlockSpec((1, D), lambda m: (0, 0)),
            pl.BlockSpec((D, D), lambda m: (0, 0)),
            pl.BlockSpec((1, D), lambda m: (0, 0)),
            pl.BlockSpec((D, D), lambda m: (0, 0)),
            pl.BlockSpec((1, D), lambda m: (0, 0)),
            pl.BlockSpec((D, D), lambda m: (0, 0)),
            pl.BlockSpec((1, D), lambda m: (0, 0)),
        ],
        out_specs=pl.BlockSpec((PBLK, D), lambda m: (m, 0)),
        out_shape=jax.ShapeDtypeStruct((S, D), F32),
    )(x2, local, cout, tout,
      W_lout, b_lout.reshape(1, -1), W_cout, b_cout.reshape(1, -1),
      W_tout, b_tout.reshape(1, -1), W_gc, b_gc.reshape(1, -1),
      W_gt, b_gt.reshape(1, -1))

    return out.reshape(1, S, D)

# --- scband reference (transcript-rebuilt; emitter-appended) ---
"""Pipeline reference for scband-native-sparse-attention-66408784330771 (READ-ONLY COPY).

The authoritative reference and input builder live on the scoring server;
editing this copy changes nothing except your own understanding.
"""

import jax, jax.numpy as jnp
import numpy as np

NUM_HEADS = 16
HEAD_DIM = 64
WINDOW = 512
RATIO = 8
TOPK = 64
BATCH = 1
SEQ = 2048
D_MODEL = 1024


def setup_inputs(seed: int = 0):
    key = jax.random.key(seed)
    ks = jax.random.split(key, 16)
    H = NUM_HEADS * HEAD_DIM

    def w(k, shape):
        return jax.random.normal(k, shape, dtype=jnp.float32) * 0.02

    z = lambda n: jnp.zeros((n,), dtype=jnp.float32)
    return {
        'x': jax.random.normal(ks[0], (BATCH, SEQ, D_MODEL), dtype=jnp.float32),
        'W_qkv': w(ks[1], (D_MODEL, 3 * H)), 'b_qkv': z(3 * H),
        'W_lout': w(ks[2], (H, D_MODEL)), 'b_lout': z(D_MODEL),
        'W_cq': w(ks[3], (D_MODEL, H)), 'b_cq': z(H),
        'W_ck': w(ks[4], (D_MODEL, H)), 'b_ck': z(H),
        'W_cv': w(ks[5], (D_MODEL, H)), 'b_cv': z(H),
        'W_cout': w(ks[6], (H, D_MODEL)), 'b_cout': z(D_MODEL),
        'W_gc': w(ks[7], (D_MODEL, D_MODEL)), 'b_gc': z(D_MODEL),
        'W_imp': w(ks[8], (D_MODEL, 1)), 'b_imp': z(1),
        'W_tq': w(ks[9], (D_MODEL, H)), 'b_tq': z(H),
        'W_tk': w(ks[10], (D_MODEL, H)), 'b_tk': z(H),
        'W_tv': w(ks[11], (D_MODEL, H)), 'b_tv': z(H),
        'W_tout': w(ks[12], (H, D_MODEL)), 'b_tout': z(D_MODEL),
        'W_gt': w(ks[13], (D_MODEL, D_MODEL)), 'b_gt': z(D_MODEL),
    }


def _forward(x, W_qkv, b_qkv, W_lout, b_lout, W_cq, b_cq, W_ck, b_ck, W_cv, b_cv,
             W_cout, b_cout, W_gc, b_gc, W_imp, b_imp, W_tq, b_tq, W_tk, b_tk,
             W_tv, b_tv, W_tout, b_tout, W_gt, b_gt):
    B, S, D = x.shape
    H, dh = NUM_HEADS, HEAD_DIM
    scale = 1.0 / jnp.sqrt(dh)
    # --- sliding window local attention ---
    qkv = (x @ W_qkv + b_qkv).reshape(B, S, 3, H, dh)
    q = qkv[:, :, 0].transpose(0, 2, 1, 3)
    k = qkv[:, :, 1].transpose(0, 2, 1, 3)
    v = qkv[:, :, 2].transpose(0, 2, 1, 3)
    scores = jnp.einsum('bhqd,bhkd->bhqk', q, k) * scale
    rows = jnp.arange(S)[:, None]
    cols = jnp.arange(S)[None, :]
    wmask = (rows - cols >= 0) & (rows - cols < WINDOW)
    scores = jnp.where(wmask[None, None, :, :], scores, -1000000000.0)
    attn = jax.nn.softmax(scores, axis=-1)
    local = jnp.einsum('bhqk,bhkd->bhqd', attn, v).transpose(0, 2, 1, 3).reshape(B, S, H * dh)
    local = local @ W_lout + b_lout
    output = local
    # --- compressed global attention ---
    max_global_len = max(S - WINDOW, RATIO)
    num_pools = max(max_global_len // RATIO, 1)
    truncated_len = num_pools * RATIO
    pool_indices = jnp.arange(truncated_len) % S
    global_tokens = x[jnp.arange(B)[:, None], pool_indices[None, :], :]
    compressed = global_tokens.reshape(B, num_pools, RATIO, D).mean(axis=2)
    cq = (x @ W_cq + b_cq).reshape(B, S, H, dh).transpose(0, 2, 1, 3)
    ck = (compressed @ W_ck + b_ck).reshape(B, num_pools, H, dh).transpose(0, 2, 1, 3)
    cv = (compressed @ W_cv + b_cv).reshape(B, num_pools, H, dh).transpose(0, 2, 1, 3)
    cscores = jnp.einsum('bhqd,bhkd->bhqk', cq, ck) * scale
    qpos = jnp.arange(S)[None, None, :, None]
    pend = ((jnp.arange(num_pools) + 1) * RATIO)[None, None, None, :]
    cscores = jnp.where(qpos >= pend, cscores, -1000000000.0)
    cattn = jax.nn.softmax(cscores, axis=-1)
    cout = jnp.einsum('bhqk,bhkd->bhqd', cattn, cv).transpose(0, 2, 1, 3).reshape(B, S, H * dh)
    cout = cout @ W_cout + b_cout
    gate_c = jax.nn.sigmoid(x @ W_gc + b_gc)
    use_c = 1.0 if (S - WINDOW) > RATIO else 0.0
    output = output + use_c * gate_c * cout
    # --- top-k global attention ---
    kk = min(TOPK, S)
    imp = (x @ W_imp + b_imp).squeeze(-1)
    _, tidx = jax.lax.top_k(imp, kk)
    sel = x[jnp.arange(B)[:, None], tidx, :]
    tq = (x @ W_tq + b_tq).reshape(B, S, H, dh).transpose(0, 2, 1, 3)
    tk = (sel @ W_tk + b_tk).reshape(B, kk, H, dh).transpose(0, 2, 1, 3)
    tv = (sel @ W_tv + b_tv).reshape(B, kk, H, dh).transpose(0, 2, 1, 3)
    tscores = jnp.einsum('bhqd,bhkd->bhqk', tq, tk) * scale
    kpos = tidx[:, None, None, :]
    tmask = jnp.arange(S)[None, None, :, None] >= kpos
    tscores = jnp.where(tmask, tscores, -1000000000.0)
    tattn = jax.nn.softmax(tscores, axis=-1)
    tout = jnp.einsum('bhqk,bhkd->bhqd', tattn, tv).transpose(0, 2, 1, 3).reshape(B, S, H * dh)
    tout = tout @ W_tout + b_tout
    gate_t = jax.nn.sigmoid(x @ W_gt + b_gt)
    use_t = 1.0 if S > WINDOW else 0.0
    output = output + use_t * gate_t * tout
    return output


def reference(x, W_qkv, b_qkv, W_lout, b_lout, W_cq, b_cq, W_ck, b_ck, W_cv, b_cv,
              W_cout, b_cout, W_gc, b_gc, W_imp, b_imp, W_tq, b_tq, W_tk, b_tk,
              W_tv, b_tv, W_tout, b_tout, W_gt, b_gt):
    return _forward(x, W_qkv, b_qkv, W_lout, b_lout, W_cq, b_cq, W_ck, b_ck, W_cv, b_cv,
                    W_cout, b_cout, W_gc, b_gc, W_imp, b_imp, W_tq, b_tq, W_tk, b_tk,
                    W_tv, b_tv, W_tout, b_tout, W_gt, b_gt)

if __name__ == "__main__":
    import jax
    _d = setup_inputs()
    print(jax.jit(kernel)(*tuple(_d.values())))

</pallas_src>

<mosaic_0001>
#map = affine_map<(d0, d1) -> (0, 0)>
#map1 = affine_map<(d0, d1) -> (0)>
module attributes {stable_mosaic.version = 14 : i64} {
  func.func @_sc_gather(%arg0: i32, %arg1: i32, %arg2: memref<2048x1024xf32, #tpu.memory_space<hbm>>, %arg3: memref<64xi32, #tpu.memory_space<hbm>>, %arg4: memref<64x1024xf32, #tpu.memory_space<hbm>>, %arg5: memref<8xi32, #tpu.memory_space<vmem>>, %arg6: memref<8x1024xf32, #tpu.memory_space<vmem>>, %arg7: memref<!tpu.dma_semaphore, #tpu.memory_space<semaphore_mem>>) attributes {dimension_semantics = [#tpu.dimension_semantics<core_parallel>, #tpu.dimension_semantics<subcore_parallel>], iteration_bounds = array<i64: 2, 16>, scalar_prefetch = 0 : i64, scratch_operands = 3 : i64, tpu.core_type = #tpu.core_type<sc_vector_subcore>, window_params = [{transform_indices = #map}, {transform_indices = #map1}, {transform_indices = #map}]} {
    %mul3A = arith.constant 2 : i32
    %mul3A_0 = arith.muli %arg1, %mul3A : i32
    %add3A = arith.addi %mul3A_0, %arg0 : i32
    %lt3A = arith.constant 8 : i32
    %lt3A_1 = arith.cmpi slt, %add3A, %lt3A : i32
    %convert_element_type3A = arith.extui %lt3A_1 : i1 to i32
    %cond3A = arith.constant 0 : i32
    %cond3A_2 = arith.cmpi ne, %convert_element_type3A, %cond3A : i32
    scf.if %cond3A_2 {
      %mul3A_3 = arith.constant 8 : i32
      %mul3A_4 = arith.muli %add3A, %mul3A_3 : i32
      "tpu.region"() ({
        %run_scoped3A = tpu.sem_alloc : memref<!tpu.dma_semaphore, #tpu.memory_space<semaphore_mem>>
        %dma_start3A_9 = tpu.memref_slice %arg3[%mul3A_4] : memref<64xi32, #tpu.memory_space<hbm>> -> memref<8xi32, #tpu.memory_space<hbm>>
        %dma_start3A_10 = tpu.memref_slice %arg3[%mul3A_4] : memref<64xi32, #tpu.memory_space<hbm>> -> memref<8xi32, #tpu.memory_space<hbm>>
        tpu.enqueue_dma source(%dma_start3A_10 : memref<8xi32, #tpu.memory_space<hbm>>) target(%arg5 : memref<8xi32, #tpu.memory_space<vmem>>) target_semaphore(%run_scoped3A : memref<!tpu.dma_semaphore, #tpu.memory_space<semaphore_mem>>)
        %dma_wait3A_11 = tpu.memref_slice %arg3[%mul3A_4] : memref<64xi32, #tpu.memory_space<hbm>> -> memref<8xi32, #tpu.memory_space<hbm>>
        %dma_wait3A_12 = tpu.memref_slice %arg3[%mul3A_4] : memref<64xi32, #tpu.memory_space<hbm>> -> memref<8xi32, #tpu.memory_space<hbm>>
        tpu.wait_dma2 semaphore(%run_scoped3A : memref<!tpu.dma_semaphore, #tpu.memory_space<semaphore_mem>>) src(%dma_wait3A_12 : memref<8xi32, #tpu.memory_space<hbm>>) dst(%arg5 : memref<8xi32, #tpu.memory_space<vmem>>)
        tpu.yield
      }) : () -> ()
      %dma_start3A = arith.constant 0 : i32
      %dma_start3A_5 = arith.constant 0 : i32
      %dma_start3A_6 = tpu.memref_slice %arg2[%dma_start3A, %dma_start3A_5] : memref<2048x1024xf32, #tpu.memory_space<hbm>> -> memref<2048x1024xf32, #tpu.memory_space<hbm>>
      tpu.enqueue_indirect_dma source(%dma_start3A_6 : memref<2048x1024xf32, #tpu.memory_space<hbm>>) target(%arg6 : memref<8x1024xf32, #tpu.memory_space<vmem>>) offsets(%arg5 : memref<8xi32, #tpu.memory_space<vmem>>) semaphore(%arg7 : memref<!tpu.dma_semaphore, #tpu.memory_space<semaphore_mem>>)
      %dma_wait3A = arith.constant 0 : i32
      %dma_wait3A_7 = arith.constant 0 : i32
      %dma_wait3A_8 = tpu.memref_slice %arg2[%dma_wait3A, %dma_wait3A_7] : memref<2048x1024xf32, #tpu.memory_space<hbm>> -> memref<2048x1024xf32, #tpu.memory_space<hbm>>
      tpu.wait_indirect_dma semaphore(%arg7 : memref<!tpu.dma_semaphore, #tpu.memory_space<semaphore_mem>>) src(%dma_wait3A_8 : memref<2048x1024xf32, #tpu.memory_space<hbm>>) dst(%arg6 : memref<8x1024xf32, #tpu.memory_space<vmem>>)
      "tpu.region"() ({
        %run_scoped3A = tpu.sem_alloc : memref<!tpu.dma_semaphore, #tpu.memory_space<semaphore_mem>>
        %dma_start3A_9 = arith.constant 0 : i32
        %dma_start3A_10 = tpu.memref_slice %arg4[%mul3A_4, %dma_start3A_9] : memref<64x1024xf32, #tpu.memory_space<hbm>> -> memref<8x1024xf32, #tpu.memory_space<hbm>>
        %dma_start3A_11 = arith.constant 0 : i32
        %dma_start3A_12 = tpu.memref_slice %arg4[%mul3A_4, %dma_start3A_11] : memref<64x1024xf32, #tpu.memory_space<hbm>> -> memref<8x1024xf32, #tpu.memory_space<hbm>>
        tpu.enqueue_dma source(%arg6 : memref<8x1024xf32, #tpu.memory_space<vmem>>) target(%dma_start3A_12 : memref<8x1024xf32, #tpu.memory_space<hbm>>) target_semaphore(%run_scoped3A : memref<!tpu.dma_semaphore, #tpu.memory_space<semaphore_mem>>)
        %dma_wait3A_13 = arith.constant 0 : i32
        %dma_wait3A_14 = tpu.memref_slice %arg4[%mul3A_4, %dma_wait3A_13] : memref<64x1024xf32, #tpu.memory_space<hbm>> -> memref<8x1024xf32, #tpu.memory_space<hbm>>
        %dma_wait3A_15 = arith.constant 0 : i32
        %dma_wait3A_16 = tpu.memref_slice %arg4[%mul3A_4, %dma_wait3A_15] : memref<64x1024xf32, #tpu.memory_space<hbm>> -> memref<8x1024xf32, #tpu.memory_space<hbm>>
        tpu.wait_dma2 semaphore(%run_scoped3A : memref<!tpu.dma_semaphore, #tpu.memory_space<semaphore_mem>>) src(%arg6 : memref<8x1024xf32, #tpu.memory_space<vmem>>) dst(%dma_wait3A_16 : memref<8x1024xf32, #tpu.memory_space<hbm>>)
        tpu.yield
      }) : () -> ()
    } else {
    }
    return
  }
}

module attributes {stable_mosaic.version = 14 : i64} {
  func.func @_rank_kernel(%arg0: i32, %arg1: memref<256x1xf32, #tpu.memory_space<vmem>>, %arg2: memref<1x2048xf32, #tpu.memory_space<vmem>>, %arg3: memref<256x1xf32, #tpu.memory_space<vmem>>) attributes {dimension_semantics = [#tpu.dimension_semantics<arbitrary>], iteration_bounds = array<i64: 8>, scalar_prefetch = 0 : i64, scratch_operands = 0 : i64, tpu.core_type = #tpu.core_type<tc>, window_params = [{transform_indices = @transform_0, window_bounds = array<i64: 256, 1>}, {pipeline_mode = #tpu.pipeline_mode<synchronous>, transform_indices = @transform_1, window_bounds = array<i64: 1, 2048>}, {transform_indices = @transform_2, window_bounds = array<i64: 256, 1>}]} {
    %get3A = arith.constant 0 : index
    %get3A_0 = arith.constant 0 : index
    %get3A_1 = vector.load %arg1[%get3A, %get3A_0] : memref<256x1xf32, #tpu.memory_space<vmem>>, vector<256x1xf32>
    %get3A_2 = arith.constant 0 : index
    %get3A_3 = arith.constant 0 : index
    %get3A_4 = vector.load %arg2[%get3A_2, %get3A_3] : memref<1x2048xf32, #tpu.memory_space<vmem>>, vector<1x2048xf32>
    %gt3A = vector.broadcast %get3A_4 : vector<1x2048xf32> to vector<256x2048xf32>
    %gt3A_5 = vector.broadcast %get3A_1 : vector<256x1xf32> to vector<256x2048xf32>
    %gt3A_6 = arith.cmpf ogt, %gt3A, %gt3A_5 : vector<256x2048xf32>
    %convert_element_type3A = arith.extui %gt3A_6 : vector<256x2048xi1> to vector<256x2048xi32>
    %convert_element_type3A_7 = arith.sitofp %convert_element_type3A : vector<256x2048xi32> to vector<256x2048xf32>
    %iota3A = tpu.iota {dimensions = array<i32: 1>} : vector<256x2048xi32>
    %mul3A = arith.constant 256 : i32
    %mul3A_8 = arith.muli %arg0, %mul3A : i32
    %iota3A_9 = tpu.iota {dimensions = array<i32: 0>} : vector<256x2048xi32>
    %add3A = vector.broadcast %mul3A_8 : i32 to vector<256x2048xi32>
    %add3A_10 = arith.addi %add3A, %iota3A_9 : vector<256x2048xi32>
    %eq3A = vector.broadcast %get3A_4 : vector<1x2048xf32> to vector<256x2048xf32>
    %eq3A_11 = vector.broadcast %get3A_1 : vector<256x1xf32> to vector<256x2048xf32>
    %eq3A_12 = arith.cmpf oeq, %eq3A, %eq3A_11 : vector<256x2048xf32>
    %lt3A = arith.cmpi slt, %iota3A, %add3A_10 : vector<256x2048xi32>
    %and3A = arith.andi %eq3A_12, %lt3A : vector<256x2048xi1>
    %convert_element_type3A_13 = arith.extui %and3A : vector<256x2048xi1> to vector<256x2048xi32>
    %convert_element_type3A_14 = arith.sitofp %convert_element_type3A_13 : vector<256x2048xi32> to vector<256x2048xf32>
    %add3A_15 = arith.addf %convert_element_type3A_7, %convert_element_type3A_14 : vector<256x2048xf32>
    %reduce_sum3A = arith.constant dense<0.000000e+00> : vector<256xf32>
    %reduce_sum3A_16 = vector.multi_reduction <add>, %add3A_15, %reduce_sum3A [1] : vector<256x2048xf32> to vector<256xf32>
    %broadcast_in_dim3A = vector.shape_cast %reduce_sum3A_16 : vector<256xf32> to vector<256x1xf32>
    %swap3A = arith.constant 0 : index
    %swap3A_17 = arith.constant 0 : index
    %swap3A_18 = vector.load %arg3[%swap3A, %swap3A_17] : memref<256x1xf32, #tpu.memory_space<vmem>>, vector<256x1xf32>
    tpu.vector_store %arg3[%swap3A, %swap3A_17], %broadcast_in_dim3A {strides = array<i32>} : memref<256x1xf32, #tpu.memory_space<vmem>>, vector<256x1xf32>,
    return
  }
  func.func @transform_0(%arg0: i32) -> (i32, i32) {
    %c0_i32 = arith.constant 0 : i32
    %c0_i32_0 = arith.constant 0 : i32
    return %arg0, %c0_i32 : i32, i32
  }
  func.func @transform_1(%arg0: i32) -> (i32, i32) {
    %c0_i32 = arith.constant 0 : i32
    %c0_i32_0 = arith.constant 0 : i32
    %c0_i32_1 = arith.constant 0 : i32
    return %c0_i32, %c0_i32_0 : i32, i32
  }
  func.func @transform_2(%arg0: i32) -> (i32, i32) {
    %c0_i32 = arith.constant 0 : i32
    %c0_i32_0 = arith.constant 0 : i32
    return %arg0, %c0_i32 : i32, i32
  }
}

module attributes {stable_mosaic.version = 14 : i64} {
  func.func @_tidx_kernel(%arg0: i32, %arg1: memref<1x2048xf32, #tpu.memory_space<vmem>>, %arg2: memref<64x1xf32, #tpu.memory_space<vmem>>) attributes {dimension_semantics = [#tpu.dimension_semantics<arbitrary>], iteration_bounds = array<i64: 1>, scalar_prefetch = 0 : i64, scratch_operands = 0 : i64, tpu.core_type = #tpu.core_type<tc>, window_params = [{pipeline_mode = #tpu.pipeline_mode<synchronous>, transform_indices = @transform_0, window_bounds = array<i64: 1, 2048>}, {pipeline_mode = #tpu.pipeline_mode<synchronous>, transform_indices = @transform_1, window_bounds = array<i64: 64, 1>}]} {
    %get3A = arith.constant 0 : index
    %get3A_0 = arith.constant 0 : index
    %get3A_1 = vector.load %arg1[%get3A, %get3A_0] : memref<1x2048xf32, #tpu.memory_space<vmem>>, vector<1x2048xf32>
    %iota3A = tpu.iota {dimensions = array<i32: 0>} : vector<64x2048xi32>
    %convert_element_type3A = arith.sitofp %iota3A : vector<64x2048xi32> to vector<64x2048xf32>
    %eq3A = vector.broadcast %get3A_1 : vector<1x2048xf32> to vector<64x2048xf32>
    %eq3A_2 = arith.cmpf oeq, %eq3A, %convert_element_type3A : vector<64x2048xf32>
    %convert_element_type3A_3 = arith.extui %eq3A_2 : vector<64x2048xi1> to vector<64x2048xi32>
    %convert_element_type3A_4 = arith.sitofp %convert_element_type3A_3 : vector<64x2048xi32> to vector<64x2048xf32>
    %iota3A_5 = tpu.iota {dimensions = array<i32: 1>} : vector<64x2048xi32>
    %convert_element_type3A_6 = arith.sitofp %iota3A_5 : vector<64x2048xi32> to vector<64x2048xf32>
    %mul3A = arith.mulf %convert_element_type3A_4, %convert_element_type3A_6 : vector<64x2048xf32>
    %reduce_sum3A = arith.constant dense<0.000000e+00> : vector<64xf32>
    %reduce_sum3A_7 = vector.multi_reduction <add>, %mul3A, %reduce_sum3A [1] : vector<64x2048xf32> to vector<64xf32>
    %broadcast_in_dim3A = vector.shape_cast %reduce_sum3A_7 : vector<64xf32> to vector<64x1xf32>
    %swap3A = arith.constant 0 : index
    %swap3A_8 = arith.constant 0 : index
    %swap3A_9 = vector.load %arg2[%swap3A, %swap3A_8] : memref<64x1xf32, #tpu.memory_space<vmem>>, vector<64x1xf32>
    tpu.vector_store %arg2[%swap3A, %swap3A_8], %broadcast_in_dim3A {strides = array<i32>} : memref<64x1xf32, #tpu.memory_space<vmem>>, vector<64x1xf32>,
    return
  }
  func.func @transform_0(%arg0: i32) -> (i32, i32) {
    %c0_i32 = arith.constant 0 : i32
    %c0_i32_0 = arith.constant 0 : i32
    %c0_i32_1 = arith.constant 0 : i32
    return %c0_i32, %c0_i32_0 : i32, i32
  }
  func.func @transform_1(%arg0: i32) -> (i32, i32) {
    %c0_i32 = arith.constant 0 : i32
    %c0_i32_0 = arith.constant 0 : i32
    %c0_i32_1 = arith.constant 0 : i32
    return %c0_i32, %c0_i32_0 : i32, i32
  }
}

module attributes {stable_mosaic.version = 14 : i64} {
  func.func @_proj_kernel(%arg0: i32, %arg1: memref<256x1024xf32, #tpu.memory_space<vmem>>, %arg2: memref<1024x3072xf32, #tpu.memory_space<vmem>>, %arg3: memref<1024x1024xf32, #tpu.memory_space<vmem>>, %arg4: memref<1024x1024xf32, #tpu.memory_space<vmem>>, %arg5: memref<1024x1xf32, #tpu.memory_space<vmem>>, %arg6: memref<1x3072xf32, #tpu.memory_space<vmem>>, %arg7: memref<1x1024xf32, #tpu.memory_space<vmem>>, %arg8: memref<1x1024xf32, #tpu.memory_space<vmem>>, %arg9: memref<1x1xf32, #tpu.memory_space<vmem>>, %arg10: memref<256x3072xbf16, #tpu.memory_space<vmem>>, %arg11: memref<256x1024xbf16, #tpu.memory_space<vmem>>, %arg12: memref<256x1024xbf16, #tpu.memory_space<vmem>>, %arg13: memref<256x1xf32, #tpu.memory_space<vmem>>) attributes {dimension_semantics = [#tpu.dimension_semantics<arbitrary>], iteration_bounds = array<i64: 8>, scalar_prefetch = 0 : i64, scratch_operands = 0 : i64, tpu.core_type = #tpu.core_type<tc>, window_params = [{transform_indices = @transform_0, window_bounds = array<i64: 256, 1024>}, {pipeline_mode = #tpu.pipeline_mode<synchronous>, transform_indices = @transform_1, window_bounds = array<i64: 1024, 3072>}, {pipeline_mode = #tpu.pipeline_mode<synchronous>, transform_indices = @transform_2, window_bounds = array<i64: 1024, 1024>}, {pipeline_mode = #tpu.pipeline_mode<synchronous>, transform_indices = @transform_3, window_bounds = array<i64: 1024, 1024>}, {pipeline_mode = #tpu.pipeline_mode<synchronous>, transform_indices = @transform_4, window_bounds = array<i64: 1024, 1>}, {pipeline_mode = #tpu.pipeline_mode<synchronous>, transform_indices = @transform_5, window_bounds = array<i64: 1, 3072>}, {pipeline_mode = #tpu.pipeline_mode<synchronous>, transform_indices = @transform_6, window_bounds = array<i64: 1, 1024>}, {pipeline_mode = #tpu.pipeline_mode<synchronous>, transform_indices = @transform_7, window_bounds = array<i64: 1, 1024>}, {pipeline_mode = #tpu.pipeline_mode<synchronous>, transform_indices = @transform_8, window_bounds = array<i64: 1, 1>}, {transform_indices = @transform_9, window_bounds = array<i64: 256, 3072>}, {transform_indices = @transform_10, window_bounds = array<i64: 256, 1024>}, {transform_indices = @transform_11, window_bounds = array<i64: 256, 1024>}, {transform_indices = @transform_12, window_bounds = array<i64: 256, 1>}]} {
    %get3A = arith.constant 0 : index
    %get3A_0 = arith.constant 0 : index
    %get3A_1 = vector.load %arg1[%get3A, %get3A_0] : memref<256x1024xf32, #tpu.memory_space<vmem>>, vector<256x1024xf32>
    %get3A_2 = arith.constant 0 : index
    %get3A_3 = arith.constant 0 : index
    %get3A_4 = vector.load %arg2[%get3A_2, %get3A_3] : memref<1024x3072xf32, #tpu.memory_space<vmem>>, vector<1024x3072xf32>
    %dot_general3A = arith.constant dense<0.000000e+00> : vector<256x3072xf32>
    %dot_general3A_5 = tpu.matmul %get3A_1, %get3A_4, %dot_general3A {dimension_numbers = #tpu.dot_dimension_numbers<[1], [0], [0], [1], [0, 0, 1, 1], [], []>, transpose_lhs_hint = false} : vector<256x1024xf32>, vector<1024x3072xf32>, vector<256x3072xf32> -> vector<256x3072xf32>
    %get3A_6 = arith.constant 0 : index
    %get3A_7 = arith.constant 0 : index
    %get3A_8 = vector.load %arg6[%get3A_6, %get3A_7] : memref<1x3072xf32, #tpu.memory_space<vmem>>, vector<1x3072xf32>
    %add3A = vector.broadcast %get3A_8 : vector<1x3072xf32> to vector<256x3072xf32>
    %add3A_9 = arith.addf %dot_general3A_5, %add3A : vector<256x3072xf32>
    %convert_element_type3A = arith.truncf %add3A_9 : vector<256x3072xf32> to vector<256x3072xbf16>
    %swap3A = arith.constant 0 : index
    %swap3A_10 = arith.constant 0 : index
    %swap3A_11 = vector.load %arg10[%swap3A, %swap3A_10] : memref<256x3072xbf16, #tpu.memory_space<vmem>>, vector<256x3072xbf16>
    tpu.vector_store %arg10[%swap3A, %swap3A_10], %convert_element_type3A {strides = array<i32>} : memref<256x3072xbf16, #tpu.memory_space<vmem>>, vector<256x3072xbf16>,
    %get3A_12 = arith.constant 0 : index
    %get3A_13 = arith.constant 0 : index
    %get3A_14 = vector.load %arg3[%get3A_12, %get3A_13] : memref<1024x1024xf32, #tpu.memory_space<vmem>>, vector<1024x1024xf32>
    %dot_general3A_15 = arith.constant dense<0.000000e+00> : vector<256x1024xf32>
    %dot_general3A_16 = tpu.matmul %get3A_1, %get3A_14, %dot_general3A_15 {dimension_numbers = #tpu.dot_dimension_numbers<[1], [0], [0], [1], [0, 0, 1, 1], [], []>, transpose_lhs_hint = false} : vector<256x1024xf32>, vector<1024x1024xf32>, vector<256x1024xf32> -> vector<256x1024xf32>
    %get3A_17 = arith.constant 0 : index
    %get3A_18 = arith.constant 0 : index
    %get3A_19 = vector.load %arg7[%get3A_17, %get3A_18] : memref<1x1024xf32, #tpu.memory_space<vmem>>, vector<1x1024xf32>
    %add3A_20 = vector.broadcast %get3A_19 : vector<1x1024xf32> to vector<256x1024xf32>
    %add3A_21 = arith.addf %dot_general3A_16, %add3A_20 : vector<256x1024xf32>
    %convert_element_type3A_22 = arith.truncf %add3A_21 : vector<256x1024xf32> to vector<256x1024xbf16>
    %swap3A_23 = arith.constant 0 : index
    %swap3A_24 = arith.constant 0 : index
    %swap3A_25 = vector.load %arg11[%swap3A_23, %swap3A_24] : memref<256x1024xbf16, #tpu.memory_space<vmem>>, vector<256x1024xbf16>
    tpu.vector_store %arg11[%swap3A_23, %swap3A_24], %convert_element_type3A_22 {strides = array<i32>} : memref<256x1024xbf16, #tpu.memory_space<vmem>>, vector<256x1024xbf16>,
    %get3A_26 = arith.constant 0 : index
    %get3A_27 = arith.constant 0 : index
    %get3A_28 = vector.load %arg4[%get3A_26, %get3A_27] : memref<1024x1024xf32, #tpu.memory_space<vmem>>, vector<1024x1024xf32>
    %dot_general3A_29 = arith.constant dense<0.000000e+00> : vector<256x1024xf32>
    %dot_general3A_30 = tpu.matmul %get3A_1, %get3A_28, %dot_general3A_29 {dimension_numbers = #tpu.dot_dimension_numbers<[1], [0], [0], [1], [0, 0, 1, 1], [], []>, transpose_lhs_hint = false} : vector<256x1024xf32>, vector<1024x1024xf32>, vector<256x1024xf32> -> vector<256x1024xf32>
    %get3A_31 = arith.constant 0 : index
    %get3A_32 = arith.constant 0 : index
    %get3A_33 = vector.load %arg8[%get3A_31, %get3A_32] : memref<1x1024xf32, #tpu.memory_space<vmem>>, vector<1x1024xf32>
    %add3A_34 = vector.broadcast %get3A_33 : vector<1x1024xf32> to vector<256x1024xf32>
    %add3A_35 = arith.addf %dot_general3A_30, %add3A_34 : vector<256x1024xf32>
    %convert_element_type3A_36 = arith.truncf %add3A_35 : vector<256x1024xf32> to vector<256x1024xbf16>
    %swap3A_37 = arith.constant 0 : index
    %swap3A_38 = arith.constant 0 : index
    %swap3A_39 = vector.load %arg12[%swap3A_37, %swap3A_38] : memref<256x1024xbf16, #tpu.memory_space<vmem>>, vector<256x1024xbf16>
    tpu.vector_store %arg12[%swap3A_37, %swap3A_38], %convert_element_type3A_36 {strides = array<i32>} : memref<256x1024xbf16, #tpu.memory_space<vmem>>, vector<256x1024xbf16>,
    %get3A_40 = arith.constant 0 : index
    %get3A_41 = arith.constant 0 : index
    %get3A_42 = vector.load %arg5[%get3A_40, %get3A_41] : memref<1024x1xf32, #tpu.memory_space<vmem>>, vector<1024x1xf32>
    %dot_general3A_43 = arith.constant dense<0.000000e+00> : vector<256x1xf32>
    %dot_general3A_44 = tpu.matmul %get3A_1, %get3A_42, %dot_general3A_43 {dimension_numbers = #tpu.dot_dimension_numbers<[1], [0], [0], [1], [0, 0, 1, 1], [], []>, transpose_lhs_hint = false} : vector<256x1024xf32>, vector<1024x1xf32>, vector<256x1xf32> -> vector<256x1xf32>
    %get3A_45 = arith.constant 0 : index
    %get3A_46 = arith.constant 0 : index
    %get3A_47 = vector.load %arg9[%get3A_45, %get3A_46] : memref<1x1xf32, #tpu.memory_space<vmem>>, vector<1x1xf32>
    %add3A_48 = vector.broadcast %get3A_47 : vector<1x1xf32> to vector<256x1xf32>
    %add3A_49 = arith.addf %dot_general3A_44, %add3A_48 : vector<256x1xf32>
    %swap3A_50 = arith.constant 0 : index
    %swap3A_51 = arith.constant 0 : index
    %swap3A_52 = vector.load %arg13[%swap3A_50, %swap3A_51] : memref<256x1xf32, #tpu.memory_space<vmem>>, vector<256x1xf32>
    tpu.vector_store %arg13[%swap3A_50, %swap3A_51], %add3A_49 {strides = array<i32>} : memref<256x1xf32, #tpu.memory_space<vmem>>, vector<256x1xf32>,
    return
  }
  func.func @transform_0(%arg0: i32) -> (i32, i32) {
    %c0_i32 = arith.constant 0 : i32
    %c0_i32_0 = arith.constant 0 : i32
    return %arg0, %c0_i32 : i32, i32
  }
  func.func @transform_1(%arg0: i32) -> (i32, i32) {
    %c0_i32 = arith.constant 0 : i32
    %c0_i32_0 = arith.constant 0 : i32
    %c0_i32_1 = arith.constant 0 : i32
    return %c0_i32, %c0_i32_0 : i32, i32
  }
  func.func @transform_2(%arg0: i32) -> (i32, i32) {
    %c0_i32 = arith.constant 0 : i32
    %c0_i32_0 = arith.constant 0 : i32
    %c0_i32_1 = arith.constant 0 : i32
    return %c0_i32, %c0_i32_0 : i32, i32
  }
  func.func @transform_3(%arg0: i32) -> (i32, i32) {
    %c0_i32 = arith.constant 0 : i32
    %c0_i32_0 = arith.constant 0 : i32
    %c0_i32_1 = arith.constant 0 : i32
    return %c0_i32, %c0_i32_0 : i32, i32
  }
  func.func @transform_4(%arg0: i32) -> (i32, i32) {
    %c0_i32 = arith.constant 0 : i32
    %c0_i32_0 = arith.constant 0 : i32
    %c0_i32_1 = arith.constant 0 : i32
    return %c0_i32, %c0_i32_0 : i32, i32
  }
  func.func @transform_5(%arg0: i32) -> (i32, i32) {
    %c0_i32 = arith.constant 0 : i32
    %c0_i32_0 = arith.constant 0 : i32
    %c0_i32_1 = arith.constant 0 : i32
    return %c0_i32, %c0_i32_0 : i32, i32
  }
  func.func @transform_6(%arg0: i32) -> (i32, i32) {
    %c0_i32 = arith.constant 0 : i32
    %c0_i32_0 = arith.constant 0 : i32
    %c0_i32_1 = arith.constant 0 : i32
    return %c0_i32, %c0_i32_0 : i32, i32
  }
  func.func @transform_7(%arg0: i32) -> (i32, i32) {
    %c0_i32 = arith.constant 0 : i32
    %c0_i32_0 = arith.constant 0 : i32
    %c0_i32_1 = arith.constant 0 : i32
    return %c0_i32, %c0_i32_0 : i32, i32
  }
  func.func @transform_8(%arg0: i32) -> (i32, i32) {
    %c0_i32 = arith.constant 0 : i32
    %c0_i32_0 = arith.constant 0 : i32
    %c0_i32_1 = arith.constant 0 : i32
    return %c0_i32, %c0_i32_0 : i32, i32
  }
  func.func @transform_9(%arg0: i32) -> (i32, i32) {
    %c0_i32 = arith.constant 0 : i32
    %c0_i32_0 = arith.constant 0 : i32
    return %arg0, %c0_i32 : i32, i32
  }
  func.func @transform_10(%arg0: i32) -> (i32, i32) {
    %c0_i32 = arith.constant 0 : i32
    %c0_i32_0 = arith.constant 0 : i32
    return %arg0, %c0_i32 : i32, i32
  }
  func.func @transform_11(%arg0: i32) -> (i32, i32) {
    %c0_i32 = arith.constant 0 : i32
    %c0_i32_0 = arith.constant 0 : i32
    return %arg0, %c0_i32 : i32, i32
  }
  func.func @transform_12(%arg0: i32) -> (i32, i32) {
    %c0_i32 = arith.constant 0 : i32
    %c0_i32_0 = arith.constant 0 : i32
    return %arg0, %c0_i32 : i32, i32
  }
}

module attributes {stable_mosaic.version = 14 : i64} {
  func.func @_local_attn_kernel(%arg0: i32, %arg1: i32, %arg2: memref<256x128xbf16, #tpu.memory_space<vmem>>, %arg3: memref<256x128xbf16, #tpu.memory_space<vmem>>, %arg4: memref<256x128xbf16, #tpu.memory_space<vmem>>, %arg5: memref<256x128xbf16, #tpu.memory_space<vmem>>, %arg6: memref<256x128xbf16, #tpu.memory_space<vmem>>, %arg7: memref<256x128xbf16, #tpu.memory_space<vmem>>, %arg8: memref<256x128xbf16, #tpu.memory_space<vmem>>, %arg9: memref<256x128xbf16, #tpu.memory_space<vmem>>) attributes {dimension_semantics = [#tpu.dimension_semantics<arbitrary>, #tpu.dimension_semantics<arbitrary>], iteration_bounds = array<i64: 8, 8>, scalar_prefetch = 0 : i64, scratch_operands = 0 : i64, tpu.core_type = #tpu.core_type<tc>, window_params = [{transform_indices = @transform_0, window_bounds = array<i64: 256, 128>}, {transform_indices = @transform_1, window_bounds = array<i64: 256, 128>}, {transform_indices = @transform_2, window_bounds = array<i64: 256, 128>}, {transform_indices = @transform_3, window_bounds = array<i64: 256, 128>}, {transform_indices = @transform_4, window_bounds = array<i64: 256, 128>}, {transform_indices = @transform_5, window_bounds = array<i64: 256, 128>}, {transform_indices = @transform_6, window_bounds = array<i64: 256, 128>}, {transform_indices = @transform_7, window_bounds = array<i64: 256, 128>}]} {
    %get3A = arith.constant 0 : index
    %get3A_0 = arith.constant 0 : index
    %get3A_1 = vector.load %arg2[%get3A, %get3A_0] : memref<256x128xbf16, #tpu.memory_space<vmem>>, vector<256x128xbf16>
    %iota3A = tpu.iota {dimensions = array<i32: 0>} : vector<256x256xi32>
    %iota3A_2 = tpu.iota {dimensions = array<i32: 1>} : vector<256x256xi32>
    %sub3A = arith.subi %iota3A, %iota3A_2 : vector<256x256xi32>
    %ge3A = arith.constant 2 : i32
    %ge3A_3 = arith.cmpi sge, %arg1, %ge3A : i32
    %add3A = arith.constant 512 : i32
    %add3A_4 = vector.broadcast %add3A : i32 to vector<256x256xi32>
    %add3A_5 = arith.addi %sub3A, %add3A_4 : vector<256x256xi32>
    %lt3A = arith.constant 512 : i32
    %lt3A_6 = vector.broadcast %lt3A : i32 to vector<256x256xi32>
    %lt3A_7 = arith.cmpi slt, %add3A_5, %lt3A_6 : vector<256x256xi32>
    %and3A = vector.broadcast %ge3A_3 : i1 to vector<256x256xi1>
    %and3A_8 = arith.andi %and3A, %lt3A_7 : vector<256x256xi1>
    %jit3A = arith.constant 0.000000e+00 : f32
    %jit3A_9 = arith.constant -1.000000e+09 : f32
    %broadcast_in_dim3A = vector.broadcast %jit3A : f32 to vector<256x256xf32>
    %broadcast_in_dim3A_10 = vector.broadcast %jit3A_9 : f32 to vector<256x256xf32>
    %select_n3A = arith.select %and3A_8, %broadcast_in_dim3A, %broadcast_in_dim3A_10 : vector<256x256xi1>, vector<256x256xf32>
    %ge3A_11 = arith.constant 1 : i32
    %ge3A_12 = arith.cmpi sge, %arg1, %ge3A_11 : i32
    %jit3A_13 = arith.constant 0.000000e+00 : f32
    %jit3A_14 = arith.constant -1.000000e+09 : f32
    %select_n3A_15 = arith.select %ge3A_12, %jit3A_13, %jit3A_14 : f32
    %ge3A_16 = arith.constant 0 : i32
    %ge3A_17 = vector.broadcast %ge3A_16 : i32 to vector<256x256xi32>
    %ge3A_18 = arith.cmpi sge, %sub3A, %ge3A_17 : vector<256x256xi32>
    %jit3A_19 = arith.constant 0.000000e+00 : f32
    %jit3A_20 = arith.constant -1.000000e+09 : f32
    %broadcast_in_dim3A_21 = vector.broadcast %jit3A_19 : f32 to vector<256x256xf32>
    %broadcast_in_dim3A_22 = vector.broadcast %jit3A_20 : f32 to vector<256x256xf32>
    %select_n3A_23 = arith.select %ge3A_18, %broadcast_in_dim3A_21, %broadcast_in_dim3A_22 : vector<256x256xi1>, vector<256x256xf32>
    %slice3A = vector.extract_strided_slice %get3A_1 {offsets = [0, 0], sizes = [256, 64], strides = [1, 1]} : vector<256x128xbf16> to vector<256x64xbf16>
    %mul3A = arith.constant 1.250000e-01 : bf16
    %mul3A_24 = vector.broadcast %mul3A : bf16 to vector<256x64xbf16>
    %mul3A_25 = arith.mulf %slice3A, %mul3A_24 : vector<256x64xbf16>
    %get3A_26 = arith.constant 0 : index
    %get3A_27 = arith.constant 0 : index
    %get3A_28 = vector.load %arg3[%get3A_26, %get3A_27] : memref<256x128xbf16, #tpu.memory_space<vmem>>, vector<256x128xbf16>
    %slice3A_29 = vector.extract_strided_slice %get3A_28 {offsets = [0, 0], sizes = [256, 64], strides = [1, 1]} : vector<256x128xbf16> to vector<256x64xbf16>
    %get3A_30 = arith.constant 0 : index
    %get3A_31 = arith.constant 0 : index
    %get3A_32 = vector.load %arg4[%get3A_30, %get3A_31] : memref<256x128xbf16, #tpu.memory_space<vmem>>, vector<256x128xbf16>
    %slice3A_33 = vector.extract_strided_slice %get3A_32 {offsets = [0, 0], sizes = [256, 64], strides = [1, 1]} : vector<256x128xbf16> to vector<256x64xbf16>
    %get3A_34 = arith.constant 0 : index
    %get3A_35 = arith.constant 0 : index
    %get3A_36 = vector.load %arg5[%get3A_34, %get3A_35] : memref<256x128xbf16, #tpu.memory_space<vmem>>, vector<256x128xbf16>
    %slice3A_37 = vector.extract_strided_slice %get3A_36 {offsets = [0, 0], sizes = [256, 64], strides = [1, 1]} : vector<256x128xbf16> to vector<256x64xbf16>
    %dot_general3A = arith.constant dense<0.000000e+00> : vector<256x256xf32>
    %dot_general3A_38 = tpu.matmul %mul3A_25, %slice3A_29, %dot_general3A {dimension_numbers = #tpu.dot_dimension_numbers<[1], [1], [0], [0], [0, 0, 1, 0], [], []>, transpose_lhs_hint = false} : vector<256x64xbf16>, vector<256x64xbf16>, vector<256x256xf32> -> vector<256x256xf32>
    %add3A_39 = arith.addf %dot_general3A_38, %select_n3A : vector<256x256xf32>
    %exp3A = math.exp %add3A_39 : vector<256x256xf32>
    %dot_general3A_40 = arith.constant dense<0.000000e+00> : vector<256x256xf32>
    %dot_general3A_41 = tpu.matmul %mul3A_25, %slice3A_33, %dot_general3A_40 {dimension_numbers = #tpu.dot_dimension_numbers<[1], [1], [0], [0], [0, 0, 1, 0], [], []>, transpose_lhs_hint = false} : vector<256x64xbf16>, vector<256x64xbf16>, vector<256x256xf32> -> vector<256x256xf32>
    %add3A_42 = vector.broadcast %select_n3A_15 : f32 to vector<256x256xf32>
    %add3A_43 = arith.addf %dot_general3A_41, %add3A_42 : vector<256x256xf32>
    %exp3A_44 = math.exp %add3A_43 : vector<256x256xf32>
    %dot_general3A_45 = arith.constant dense<0.000000e+00> : vector<256x256xf32>
    %dot_general3A_46 = tpu.matmul %mul3A_25, %slice3A_37, %dot_general3A_45 {dimension_numbers = #tpu.dot_dimension_numbers<[1], [1], [0], [0], [0, 0, 1, 0], [], []>, transpose_lhs_hint = false} : vector<256x64xbf16>, vector<256x64xbf16>, vector<256x256xf32> -> vector<256x256xf32>
    %add3A_47 = arith.addf %dot_general3A_46, %select_n3A_23 : vector<256x256xf32>
    %exp3A_48 = math.exp %add3A_47 : vector<256x256xf32>
    %reduce_sum3A = arith.constant dense<0.000000e+00> : vector<256xf32>
    %reduce_sum3A_49 = vector.multi_reduction <add>, %exp3A, %reduce_sum3A [1] : vector<256x256xf32> to vector<256xf32>
    %broadcast_in_dim3A_50 = vector.shape_cast %reduce_sum3A_49 : vector<256xf32> to vector<256x1xf32>
    %reduce_sum3A_51 = arith.constant dense<0.000000e+00> : vector<256xf32>
    %reduce_sum3A_52 = vector.multi_reduction <add>, %exp3A_44, %reduce_sum3A_51 [1] : vector<256x256xf32> to vector<256xf32>
    %broadcast_in_dim3A_53 = vector.shape_cast %reduce_sum3A_52 : vector<256xf32> to vector<256x1xf32>
    %add3A_54 = arith.addf %broadcast_in_dim3A_50, %broadcast_in_dim3A_53 : vector<256x1xf32>
    %reduce_sum3A_55 = arith.constant dense<0.000000e+00> : vector<256xf32>
    %reduce_sum3A_56 = vector.multi_reduction <add>, %exp3A_48, %reduce_sum3A_55 [1] : vector<256x256xf32> to vector<256xf32>
    %broadcast_in_dim3A_57 = vector.shape_cast %reduce_sum3A_56 : vector<256xf32> to vector<256x1xf32>
    %add3A_58 = arith.addf %add3A_54, %broadcast_in_dim3A_57 : vector<256x1xf32>
    %get3A_59 = arith.constant 0 : index
    %get3A_60 = arith.constant 0 : index
    %get3A_61 = vector.load %arg6[%get3A_59, %get3A_60] : memref<256x128xbf16, #tpu.memory_space<vmem>>, vector<256x128xbf16>
    %slice3A_62 = vector.extract_strided_slice %get3A_61 {offsets = [0, 0], sizes = [256, 64], strides = [1, 1]} : vector<256x128xbf16> to vector<256x64xbf16>
    %dot_general3A_63 = arith.constant dense<0.000000e+00> : vector<256x64xf32>
    %dot_general3A_64 = tpu.matmul %exp3A, %slice3A_62, %dot_general3A_63 {dimension_numbers = #tpu.dot_dimension_numbers<[1], [0], [0], [1], [0, 0, 1, 1], [], []>, transpose_lhs_hint = false} : vector<256x256xf32>, vector<256x64xbf16>, vector<256x64xf32> -> vector<256x64xf32>
    %get3A_65 = arith.constant 0 : index
    %get3A_66 = arith.constant 0 : index
    %get3A_67 = vector.load %arg7[%get3A_65, %get3A_66] : memref<256x128xbf16, #tpu.memory_space<vmem>>, vector<256x128xbf16>
    %slice3A_68 = vector.extract_strided_slice %get3A_67 {offsets = [0, 0], sizes = [256, 64], strides = [1, 1]} : vector<256x128xbf16> to vector<256x64xbf16>
    %dot_general3A_69 = arith.constant dense<0.000000e+00> : vector<256x64xf32>
    %dot_general3A_70 = tpu.matmul %exp3A_44, %slice3A_68, %dot_general3A_69 {dimension_numbers = #tpu.dot_dimension_numbers<[1], [0], [0], [1], [0, 0, 1, 1], [], []>, transpose_lhs_hint = false} : vector<256x256xf32>, vector<256x64xbf16>, vector<256x64xf32> -> vector<256x64xf32>
    %add3A_71 = arith.addf %dot_general3A_64, %dot_general3A_70 : vector<256x64xf32>
    %get3A_72 = arith.constant 0 : index
    %get3A_73 = arith.constant 0 : index
    %get3A_74 = vector.load %arg8[%get3A_72, %get3A_73] : memref<256x128xbf16, #tpu.memory_space<vmem>>, vector<256x128xbf16>
    %slice3A_75 = vector.extract_strided_slice %get3A_74 {offsets = [0, 0], sizes = [256, 64], strides = [1, 1]} : vector<256x128xbf16> to vector<256x64xbf16>
    %dot_general3A_76 = arith.constant dense<0.000000e+00> : vector<256x64xf32>
    %dot_general3A_77 = tpu.matmul %exp3A_48, %slice3A_75, %dot_general3A_76 {dimension_numbers = #tpu.dot_dimension_numbers<[1], [0], [0], [1], [0, 0, 1, 1], [], []>, transpose_lhs_hint = false} : vector<256x256xf32>, vector<256x64xbf16>, vector<256x64xf32> -> vector<256x64xf32>
    %add3A_78 = arith.addf %add3A_71, %dot_general3A_77 : vector<256x64xf32>
    %div3A = vector.broadcast %add3A_58 : vector<256x1xf32> to vector<256x64xf32>
    %div3A_79 = arith.divf %add3A_78, %div3A : vector<256x64xf32>
    %slice3A_80 = vector.extract_strided_slice %get3A_1 {offsets = [0, 64], sizes = [256, 64], strides = [1, 1]} : vector<256x128xbf16> to vector<256x64xbf16>
    %mul3A_81 = arith.constant 1.250000e-01 : bf16
    %mul3A_82 = vector.broadcast %mul3A_81 : bf16 to vector<256x64xbf16>
    %mul3A_83 = arith.mulf %slice3A_80, %mul3A_82 : vector<256x64xbf16>
    %get3A_84 = arith.constant 0 : index
    %get3A_85 = arith.constant 0 : index
    %get3A_86 = vector.load %arg3[%get3A_84, %get3A_85] : memref<256x128xbf16, #tpu.memory_space<vmem>>, vector<256x128xbf16>
    %slice3A_87 = vector.extract_strided_slice %get3A_86 {offsets = [0, 64], sizes = [256, 64], strides = [1, 1]} : vector<256x128xbf16> to vector<256x64xbf16>
    %get3A_88 = arith.constant 0 : index
    %get3A_89 = arith.constant 0 : index
    %get3A_90 = vector.load %arg4[%get3A_88, %get3A_89] : memref<256x128xbf16, #tpu.memory_space<vmem>>, vector<256x128xbf16>
    %slice3A_91 = vector.extract_strided_slice %get3A_90 {offsets = [0, 64], sizes = [256, 64], strides = [1, 1]} : vector<256x128xbf16> to vector<256x64xbf16>
    %get3A_92 = arith.constant 0 : index
    %get3A_93 = arith.constant 0 : index
    %get3A_94 = vector.load %arg5[%get3A_92, %get3A_93] : memref<256x128xbf16, #tpu.memory_space<vmem>>, vector<256x128xbf16>
    %slice3A_95 = vector.extract_strided_slice %get3A_94 {offsets = [0, 64], sizes = [256, 64], strides = [1, 1]} : vector<256x128xbf16> to vector<256x64xbf16>
    %dot_general3A_96 = arith.constant dense<0.000000e+00> : vector<256x256xf32>
    %dot_general3A_97 = tpu.matmul %mul3A_83, %slice3A_87, %dot_general3A_96 {dimension_numbers = #tpu.dot_dimension_numbers<[1], [1], [0], [0], [0, 0, 1, 0], [], []>, transpose_lhs_hint = false} : vector<256x64xbf16>, vector<256x64xbf16>, vector<256x256xf32> -> vector<256x256xf32>
    %add3A_98 = arith.addf %dot_general3A_97, %select_n3A : vector<256x256xf32>
    %exp3A_99 = math.exp %add3A_98 : vector<256x256xf32>
    %dot_general3A_100 = arith.constant dense<0.000000e+00> : vector<256x256xf32>
    %dot_general3A_101 = tpu.matmul %mul3A_83, %slice3A_91, %dot_general3A_100 {dimension_numbers = #tpu.dot_dimension_numbers<[1], [1], [0], [0], [0, 0, 1, 0], [], []>, transpose_lhs_hint = false} : vector<256x64xbf16>, vector<256x64xbf16>, vector<256x256xf32> -> vector<256x256xf32>
    %add3A_102 = vector.broadcast %select_n3A_15 : f32 to vector<256x256xf32>
    %add3A_103 = arith.addf %dot_general3A_101, %add3A_102 : vector<256x256xf32>
    %exp3A_104 = math.exp %add3A_103 : vector<256x256xf32>
    %dot_general3A_105 = arith.constant dense<0.000000e+00> : vector<256x256xf32>
    %dot_general3A_106 = tpu.matmul %mul3A_83, %slice3A_95, %dot_general3A_105 {dimension_numbers = #tpu.dot_dimension_numbers<[1], [1], [0], [0], [0, 0, 1, 0], [], []>, transpose_lhs_hint = false} : vector<256x64xbf16>, vector<256x64xbf16>, vector<256x256xf32> -> vector<256x256xf32>
    %add3A_107 = arith.addf %dot_general3A_106, %select_n3A_23 : vector<256x256xf32>
    %exp3A_108 = math.exp %add3A_107 : vector<256x256xf32>
    %reduce_sum3A_109 = arith.constant dense<0.000000e+00> : vector<256xf32>
    %reduce_sum3A_110 = vector.multi_reduction <add>, %exp3A_99, %reduce_sum3A_109 [1] : vector<256x256xf32> to vector<256xf32>
    %broadcast_in_dim3A_111 = vector.shape_cast %reduce_sum3A_110 : vector<256xf32> to vector<256x1xf32>
    %reduce_sum3A_112 = arith.constant dense<0.000000e+00> : vector<256xf32>
    %reduce_sum3A_113 = vector.multi_reduction <add>, %exp3A_104, %reduce_sum3A_112 [1] : vector<256x256xf32> to vector<256xf32>
    %broadcast_in_dim3A_114 = vector.shape_cast %reduce_sum3A_113 : vector<256xf32> to vector<256x1xf32>
    %add3A_115 = arith.addf %broadcast_in_dim3A_111, %broadcast_in_dim3A_114 : vector<256x1xf32>
    %reduce_sum3A_116 = arith.constant dense<0.000000e+00> : vector<256xf32>
    %reduce_sum3A_117 = vector.multi_reduction <add>, %exp3A_108, %reduce_sum3A_116 [1] : vector<256x256xf32> to vector<256xf32>
    %broadcast_in_dim3A_118 = vector.shape_cast %reduce_sum3A_117 : vector<256xf32> to vector<256x1xf32>
    %add3A_119 = arith.addf %add3A_115, %broadcast_in_dim3A_118 : vector<256x1xf32>
    %get3A_120 = arith.constant 0 : index
    %get3A_121 = arith.constant 0 : index
    %get3A_122 = vector.load %arg6[%get3A_120, %get3A_121] : memref<256x128xbf16, #tpu.memory_space<vmem>>, vector<256x128xbf16>
    %slice3A_123 = vector.extract_strided_slice %get3A_122 {offsets = [0, 64], sizes = [256, 64], strides = [1, 1]} : vector<256x128xbf16> to vector<256x64xbf16>
    %dot_general3A_124 = arith.constant dense<0.000000e+00> : vector<256x64xf32>
    %dot_general3A_125 = tpu.matmul %exp3A_99, %slice3A_123, %dot_general3A_124 {dimension_numbers = #tpu.dot_dimension_numbers<[1], [0], [0], [1], [0, 0, 1, 1], [], []>, transpose_lhs_hint = false} : vector<256x256xf32>, vector<256x64xbf16>, vector<256x64xf32> -> vector<256x64xf32>
    %get3A_126 = arith.constant 0 : index
    %get3A_127 = arith.constant 0 : index
    %get3A_128 = vector.load %arg7[%get3A_126, %get3A_127] : memref<256x128xbf16, #tpu.memory_space<vmem>>, vector<256x128xbf16>
    %slice3A_129 = vector.extract_strided_slice %get3A_128 {offsets = [0, 64], sizes = [256, 64], strides = [1, 1]} : vector<256x128xbf16> to vector<256x64xbf16>
    %dot_general3A_130 = arith.constant dense<0.000000e+00> : vector<256x64xf32>
    %dot_general3A_131 = tpu.matmul %exp3A_104, %slice3A_129, %dot_general3A_130 {dimension_numbers = #tpu.dot_dimension_numbers<[1], [0], [0], [1], [0, 0, 1, 1], [], []>, transpose_lhs_hint = false} : vector<256x256xf32>, vector<256x64xbf16>, vector<256x64xf32> -> vector<256x64xf32>
    %add3A_132 = arith.addf %dot_general3A_125, %dot_general3A_131 : vector<256x64xf32>
    %get3A_133 = arith.constant 0 : index
    %get3A_134 = arith.constant 0 : index
    %get3A_135 = vector.load %arg8[%get3A_133, %get3A_134] : memref<256x128xbf16, #tpu.memory_space<vmem>>, vector<256x128xbf16>
    %slice3A_136 = vector.extract_strided_slice %get3A_135 {offsets = [0, 64], sizes = [256, 64], strides = [1, 1]} : vector<256x128xbf16> to vector<256x64xbf16>
    %dot_general3A_137 = arith.constant dense<0.000000e+00> : vector<256x64xf32>
    %dot_general3A_138 = tpu.matmul %exp3A_108, %slice3A_136, %dot_general3A_137 {dimension_numbers = #tpu.dot_dimension_numbers<[1], [0], [0], [1], [0, 0, 1, 1], [], []>, transpose_lhs_hint = false} : vector<256x256xf32>, vector<256x64xbf16>, vector<256x64xf32> -> vector<256x64xf32>
    %add3A_139 = arith.addf %add3A_132, %dot_general3A_138 : vector<256x64xf32>
    %div3A_140 = vector.broadcast %add3A_119 : vector<256x1xf32> to vector<256x64xf32>
    %div3A_141 = arith.divf %add3A_139, %div3A_140 : vector<256x64xf32>
    %concatenate3A = tpu.concatenate %div3A_79, %div3A_141 in 1 : vector<256x64xf32>, vector<256x64xf32> -> vector<256x128xf32>
    %convert_element_type3A = arith.truncf %concatenate3A : vector<256x128xf32> to vector<256x128xbf16>
    %swap3A = arith.constant 0 : index
    %swap3A_142 = arith.constant 0 : index
    %swap3A_143 = vector.load %arg9[%swap3A, %swap3A_142] : memref<256x128xbf16, #tpu.memory_space<vmem>>, vector<256x128xbf16>
    tpu.vector_store %arg9[%swap3A, %swap3A_142], %convert_element_type3A {strides = array<i32>} : memref<256x128xbf16, #tpu.memory_space<vmem>>, vector<256x128xbf16>,
    return
  }
  func.func @transform_0(%arg0: i32, %arg1: i32) -> (i32, i32) {
    %c0_i32 = arith.constant 0 : i32
    return %arg1, %arg0 : i32, i32
  }
  func.func @transform_1(%arg0: i32, %arg1: i32) -> (i32, i32) {
    %sub3A = arith.constant 2 : i32
    %sub3A_0 = arith.subi %arg1, %sub3A : i32
    %max3A = arith.constant 0 : i32
    %max3A_1 = arith.maxsi %sub3A_0, %max3A : i32
    %add3A = arith.constant 8 : i32
    %add3A_2 = arith.addi %add3A, %arg0 : i32
    %c0_i32 = arith.constant 0 : i32
    return %max3A_1, %add3A_2 : i32, i32
  }
  func.func @transform_2(%arg0: i32, %arg1: i32) -> (i32, i32) {
    %sub3A = arith.constant 1 : i32
    %sub3A_0 = arith.subi %arg1, %sub3A : i32
    %max3A = arith.constant 0 : i32
    %max3A_1 = arith.maxsi %sub3A_0, %max3A : i32
    %add3A = arith.constant 8 : i32
    %add3A_2 = arith.addi %add3A, %arg0 : i32
    %c0_i32 = arith.constant 0 : i32
    return %max3A_1, %add3A_2 : i32, i32
  }
  func.func @transform_3(%arg0: i32, %arg1: i32) -> (i32, i32) {
    %add3A = arith.constant 8 : i32
    %add3A_0 = arith.addi %add3A, %arg0 : i32
    %c0_i32 = arith.constant 0 : i32
    return %arg1, %add3A_0 : i32, i32
  }
  func.func @transform_4(%arg0: i32, %arg1: i32) -> (i32, i32) {
    %sub3A = arith.constant 2 : i32
    %sub3A_0 = arith.subi %arg1, %sub3A : i32
    %max3A = arith.constant 0 : i32
    %max3A_1 = arith.maxsi %sub3A_0, %max3A : i32
    %add3A = arith.constant 16 : i32
    %add3A_2 = arith.addi %add3A, %arg0 : i32
    %c0_i32 = arith.constant 0 : i32
    return %max3A_1, %add3A_2 : i32, i32
  }
  func.func @transform_5(%arg0: i32, %arg1: i32) -> (i32, i32) {
    %sub3A = arith.constant 1 : i32
    %sub3A_0 = arith.subi %arg1, %sub3A : i32
    %max3A = arith.constant 0 : i32
    %max3A_1 = arith.maxsi %sub3A_0, %max3A : i32
    %add3A = arith.constant 16 : i32
    %add3A_2 = arith.addi %add3A, %arg0 : i32
    %c0_i32 = arith.constant 0 : i32
    return %max3A_1, %add3A_2 : i32, i32
  }
  func.func @transform_6(%arg0: i32, %arg1: i32) -> (i32, i32) {
    %add3A = arith.constant 16 : i32
    %add3A_0 = arith.addi %add3A, %arg0 : i32
    %c0_i32 = arith.constant 0 : i32
    return %arg1, %add3A_0 : i32, i32
  }
  func.func @transform_7(%arg0: i32, %arg1: i32) -> (i32, i32) {
    %c0_i32 = arith.constant 0 : i32
    return %arg1, %arg0 : i32, i32
  }
}

module attributes {stable_mosaic.version = 14 : i64} {
  func.func @_pool_ckcv_kernel(%arg0: i32, %arg1: memref<192x1536xf32, #tpu.memory_space<vmem>>, %arg2: memref<1536x1024xf32, #tpu.memory_space<vmem>>, %arg3: memref<1024x2048xf32, #tpu.memory_space<vmem>>, %arg4: memref<1x2048xf32, #tpu.memory_space<vmem>>, %arg5: memref<192x2048xbf16, #tpu.memory_space<vmem>>) attributes {dimension_semantics = [#tpu.dimension_semantics<arbitrary>], iteration_bounds = array<i64: 1>, scalar_prefetch = 0 : i64, scratch_operands = 0 : i64, tpu.core_type = #tpu.core_type<tc>, window_params = [{pipeline_mode = #tpu.pipeline_mode<synchronous>, transform_indices = @transform_0, window_bounds = array<i64: 192, 1536>}, {transform_indices = @transform_1, window_bounds = array<i64: 1536, 1024>}, {pipeline_mode = #tpu.pipeline_mode<synchronous>, transform_indices = @transform_2, window_bounds = array<i64: 1024, 2048>}, {pipeline_mode = #tpu.pipeline_mode<synchronous>, transform_indices = @transform_3, window_bounds = array<i64: 1, 2048>}, {pipeline_mode = #tpu.pipeline_mode<synchronous>, transform_indices = @transform_4, window_bounds = array<i64: 192, 2048>}]} {
    %get3A = arith.constant 0 : index
    %get3A_0 = arith.constant 0 : index
    %get3A_1 = vector.load %arg1[%get3A, %get3A_0] : memref<192x1536xf32, #tpu.memory_space<vmem>>, vector<192x1536xf32>
    %get3A_2 = arith.constant 0 : index
    %get3A_3 = arith.constant 0 : index
    %get3A_4 = vector.load %arg2[%get3A_2, %get3A_3] : memref<1536x1024xf32, #tpu.memory_space<vmem>>, vector<1536x1024xf32>
    %dot_general3A = arith.constant dense<0.000000e+00> : vector<192x1024xf32>
    %dot_general3A_5 = tpu.matmul %get3A_1, %get3A_4, %dot_general3A {dimension_numbers = #tpu.dot_dimension_numbers<[1], [0], [0], [1], [0, 0, 1, 1], [], []>, transpose_lhs_hint = false} : vector<192x1536xf32>, vector<1536x1024xf32>, vector<192x1024xf32> -> vector<192x1024xf32>
    %get3A_6 = arith.constant 0 : index
    %get3A_7 = arith.constant 0 : index
    %get3A_8 = vector.load %arg3[%get3A_6, %get3A_7] : memref<1024x2048xf32, #tpu.memory_space<vmem>>, vector<1024x2048xf32>
    %dot_general3A_9 = arith.constant dense<0.000000e+00> : vector<192x2048xf32>
    %dot_general3A_10 = tpu.matmul %dot_general3A_5, %get3A_8, %dot_general3A_9 {dimension_numbers = #tpu.dot_dimension_numbers<[1], [0], [0], [1], [0, 0, 1, 1], [], []>, transpose_lhs_hint = false} : vector<192x1024xf32>, vector<1024x2048xf32>, vector<192x2048xf32> -> vector<192x2048xf32>
    %get3A_11 = arith.constant 0 : index
    %get3A_12 = arith.constant 0 : index
    %get3A_13 = vector.load %arg4[%get3A_11, %get3A_12] : memref<1x2048xf32, #tpu.memory_space<vmem>>, vector<1x2048xf32>
    %add3A = vector.broadcast %get3A_13 : vector<1x2048xf32> to vector<192x2048xf32>
    %add3A_14 = arith.addf %dot_general3A_10, %add3A : vector<192x2048xf32>
    %convert_element_type3A = arith.truncf %add3A_14 : vector<192x2048xf32> to vector<192x2048xbf16>
    %swap3A = arith.constant 0 : index
    %swap3A_15 = arith.constant 0 : index
    %swap3A_16 = vector.load %arg5[%swap3A, %swap3A_15] : memref<192x2048xbf16, #tpu.memory_space<vmem>>, vector<192x2048xbf16>
    tpu.vector_store %arg5[%swap3A, %swap3A_15], %convert_element_type3A {strides = array<i32>} : memref<192x2048xbf16, #tpu.memory_space<vmem>>, vector<192x2048xbf16>,
    return
  }
  func.func @transform_0(%arg0: i32) -> (i32, i32) {
    %c0_i32 = arith.constant 0 : i32
    %c0_i32_0 = arith.constant 0 : i32
    %c0_i32_1 = arith.constant 0 : i32
    return %c0_i32, %c0_i32_0 : i32, i32
  }
  func.func @transform_1(%arg0: i32) -> (i32, i32) {
    %c0_i32 = arith.constant 0 : i32
    %c0_i32_0 = arith.constant 0 : i32
    %c0_i32_1 = arith.constant 0 : i32
    return %c0_i32, %c0_i32_0 : i32, i32
  }
  func.func @transform_2(%arg0: i32) -> (i32, i32) {
    %c0_i32 = arith.constant 0 : i32
    %c0_i32_0 = arith.constant 0 : i32
    %c0_i32_1 = arith.constant 0 : i32
    return %c0_i32, %c0_i32_0 : i32, i32
  }
  func.func @transform_3(%arg0: i32) -> (i32, i32) {
    %c0_i32 = arith.constant 0 : i32
    %c0_i32_0 = arith.constant 0 : i32
    %c0_i32_1 = arith.constant 0 : i32
    return %c0_i32, %c0_i32_0 : i32, i32
  }
  func.func @transform_4(%arg0: i32) -> (i32, i32) {
    %c0_i32 = arith.constant 0 : i32
    %c0_i32_0 = arith.constant 0 : i32
    %c0_i32_1 = arith.constant 0 : i32
    return %c0_i32, %c0_i32_0 : i32, i32
  }
}

module attributes {stable_mosaic.version = 14 : i64} {
  func.func @_tkv_kernel(%arg0: i32, %arg1: memref<64x1024xf32, #tpu.memory_space<vmem>>, %arg2: memref<1024x2048xf32, #tpu.memory_space<vmem>>, %arg3: memref<1x2048xf32, #tpu.memory_space<vmem>>, %arg4: memref<64x2048xbf16, #tpu.memory_space<vmem>>) attributes {dimension_semantics = [#tpu.dimension_semantics<arbitrary>], iteration_bounds = array<i64: 1>, scalar_prefetch = 0 : i64, scratch_operands = 0 : i64, tpu.core_type = #tpu.core_type<tc>, window_params = [{pipeline_mode = #tpu.pipeline_mode<synchronous>, transform_indices = @transform_0, window_bounds = array<i64: 64, 1024>}, {pipeline_mode = #tpu.pipeline_mode<synchronous>, transform_indices = @transform_1, window_bounds = array<i64: 1024, 2048>}, {pipeline_mode = #tpu.pipeline_mode<synchronous>, transform_indices = @transform_2, window_bounds = array<i64: 1, 2048>}, {pipeline_mode = #tpu.pipeline_mode<synchronous>, transform_indices = @transform_3, window_bounds = array<i64: 64, 2048>}]} {
    %get3A = arith.constant 0 : index
    %get3A_0 = arith.constant 0 : index
    %get3A_1 = vector.load %arg1[%get3A, %get3A_0] : memref<64x1024xf32, #tpu.memory_space<vmem>>, vector<64x1024xf32>
    %get3A_2 = arith.constant 0 : index
    %get3A_3 = arith.constant 0 : index
    %get3A_4 = vector.load %arg2[%get3A_2, %get3A_3] : memref<1024x2048xf32, #tpu.memory_space<vmem>>, vector<1024x2048xf32>
    %dot_general3A = arith.constant dense<0.000000e+00> : vector<64x2048xf32>
    %dot_general3A_5 = tpu.matmul %get3A_1, %get3A_4, %dot_general3A {dimension_numbers = #tpu.dot_dimension_numbers<[1], [0], [0], [1], [0, 0, 1, 1], [], []>, transpose_lhs_hint = false} : vector<64x1024xf32>, vector<1024x2048xf32>, vector<64x2048xf32> -> vector<64x2048xf32>
    %get3A_6 = arith.constant 0 : index
    %get3A_7 = arith.constant 0 : index
    %get3A_8 = vector.load %arg3[%get3A_6, %get3A_7] : memref<1x2048xf32, #tpu.memory_space<vmem>>, vector<1x2048xf32>
    %add3A = vector.broadcast %get3A_8 : vector<1x2048xf32> to vector<64x2048xf32>
    %add3A_9 = arith.addf %dot_general3A_5, %add3A : vector<64x2048xf32>
    %convert_element_type3A = arith.truncf %add3A_9 : vector<64x2048xf32> to vector<64x2048xbf16>
    %swap3A = arith.constant 0 : index
    %swap3A_10 = arith.constant 0 : index
    %swap3A_11 = vector.load %arg4[%swap3A, %swap3A_10] : memref<64x2048xbf16, #tpu.memory_space<vmem>>, vector<64x2048xbf16>
    tpu.vector_store %arg4[%swap3A, %swap3A_10], %convert_element_type3A {strides = array<i32>} : memref<64x2048xbf16, #tpu.memory_space<vmem>>, vector<64x2048xbf16>,
    return
  }
  func.func @transform_0(%arg0: i32) -> (i32, i32) {
    %c0_i32 = arith.constant 0 : i32
    %c0_i32_0 = arith.constant 0 : i32
    %c0_i32_1 = arith.constant 0 : i32
    return %c0_i32, %c0_i32_0 : i32, i32
  }
  func.func @transform_1(%arg0: i32) -> (i32, i32) {
    %c0_i32 = arith.constant 0 : i32
    %c0_i32_0 = arith.constant 0 : i32
    %c0_i32_1 = arith.constant 0 : i32
    return %c0_i32, %c0_i32_0 : i32, i32
  }
  func.func @transform_2(%arg0: i32) -> (i32, i32) {
    %c0_i32 = arith.constant 0 : i32
    %c0_i32_0 = arith.constant 0 : i32
    %c0_i32_1 = arith.constant 0 : i32
    return %c0_i32, %c0_i32_0 : i32, i32
  }
  func.func @transform_3(%arg0: i32) -> (i32, i32) {
    %c0_i32 = arith.constant 0 : i32
    %c0_i32_0 = arith.constant 0 : i32
    %c0_i32_1 = arith.constant 0 : i32
    return %c0_i32, %c0_i32_0 : i32, i32
  }
}

module attributes {stable_mosaic.version = 14 : i64} {
  func.func @_ctattn_kernel(%arg0: i32, %arg1: i32, %arg2: memref<512x128xbf16, #tpu.memory_space<vmem>>, %arg3: memref<512x128xbf16, #tpu.memory_space<vmem>>, %arg4: memref<192x128xbf16, #tpu.memory_space<vmem>>, %arg5: memref<192x128xbf16, #tpu.memory_space<vmem>>, %arg6: memref<64x128xbf16, #tpu.memory_space<vmem>>, %arg7: memref<64x128xbf16, #tpu.memory_space<vmem>>, %arg8: memref<1x64xf32, #tpu.memory_space<vmem>>, %arg9: memref<512x128xbf16, #tpu.memory_space<vmem>>, %arg10: memref<512x128xbf16, #tpu.memory_space<vmem>>) attributes {dimension_semantics = [#tpu.dimension_semantics<arbitrary>, #tpu.dimension_semantics<arbitrary>], iteration_bounds = array<i64: 8, 4>, scalar_prefetch = 0 : i64, scratch_operands = 0 : i64, tpu.core_type = #tpu.core_type<tc>, window_params = [{transform_indices = @transform_0, window_bounds = array<i64: 512, 128>}, {transform_indices = @transform_1, window_bounds = array<i64: 512, 128>}, {transform_indices = @transform_2, window_bounds = array<i64: 192, 128>}, {transform_indices = @transform_3, window_bounds = array<i64: 192, 128>}, {transform_indices = @transform_4, window_bounds = array<i64: 64, 128>}, {transform_indices = @transform_5, window_bounds = array<i64: 64, 128>}, {pipeline_mode = #tpu.pipeline_mode<synchronous>, transform_indices = @transform_6, window_bounds = array<i64: 1, 64>}, {transform_indices = @transform_7, window_bounds = array<i64: 512, 128>}, {transform_indices = @transform_8, window_bounds = array<i64: 512, 128>}]} {
    %get3A = arith.constant 0 : index
    %get3A_0 = arith.constant 0 : index
    %get3A_1 = vector.load %arg2[%get3A, %get3A_0] : memref<512x128xbf16, #tpu.memory_space<vmem>>, vector<512x128xbf16>
    %get3A_2 = arith.constant 0 : index
    %get3A_3 = arith.constant 0 : index
    %get3A_4 = vector.load %arg3[%get3A_2, %get3A_3] : memref<512x128xbf16, #tpu.memory_space<vmem>>, vector<512x128xbf16>
    %mul3A = arith.constant 512 : i32
    %mul3A_5 = arith.muli %arg1, %mul3A : i32
    %iota3A = tpu.iota {dimensions = array<i32: 0>} : vector<512x192xi32>
    %add3A = vector.broadcast %mul3A_5 : i32 to vector<512x192xi32>
    %add3A_6 = arith.addi %add3A, %iota3A : vector<512x192xi32>
    %iota3A_7 = tpu.iota {dimensions = array<i32: 1>} : vector<512x192xi32>
    %add3A_8 = arith.constant 1 : i32
    %add3A_9 = vector.broadcast %add3A_8 : i32 to vector<512x192xi32>
    %add3A_10 = arith.addi %iota3A_7, %add3A_9 : vector<512x192xi32>
    %mul3A_11 = arith.constant 8 : i32
    %mul3A_12 = vector.broadcast %mul3A_11 : i32 to vector<512x192xi32>
    %mul3A_13 = arith.muli %add3A_10, %mul3A_12 : vector<512x192xi32>
    %ge3A = arith.cmpi sge, %add3A_6, %mul3A_13 : vector<512x192xi32>
    %mul3A_14 = arith.constant 512 : i32
    %mul3A_15 = arith.muli %arg1, %mul3A_14 : i32
    %iota3A_16 = tpu.iota {dimensions = array<i32: 0>} : vector<512x64xi32>
    %add3A_17 = vector.broadcast %mul3A_15 : i32 to vector<512x64xi32>
    %add3A_18 = arith.addi %add3A_17, %iota3A_16 : vector<512x64xi32>
    %convert_element_type3A = arith.sitofp %add3A_18 : vector<512x64xi32> to vector<512x64xf32>
    %get3A_19 = arith.constant 0 : index
    %get3A_20 = arith.constant 0 : index
    %get3A_21 = vector.load %arg8[%get3A_19, %get3A_20] : memref<1x64xf32, #tpu.memory_space<vmem>>, vector<1x64xf32>
    %ge3A_22 = vector.broadcast %get3A_21 : vector<1x64xf32> to vector<512x64xf32>
    %ge3A_23 = arith.cmpf oge, %convert_element_type3A, %ge3A_22 : vector<512x64xf32>
    %slice3A = vector.extract_strided_slice %get3A_1 {offsets = [0, 0], sizes = [512, 64], strides = [1, 1]} : vector<512x128xbf16> to vector<512x64xbf16>
    %mul3A_24 = arith.constant 1.250000e-01 : bf16
    %mul3A_25 = vector.broadcast %mul3A_24 : bf16 to vector<512x64xbf16>
    %mul3A_26 = arith.mulf %slice3A, %mul3A_25 : vector<512x64xbf16>
    %get3A_27 = arith.constant 0 : index
    %get3A_28 = arith.constant 0 : index
    %get3A_29 = vector.load %arg4[%get3A_27, %get3A_28] : memref<192x128xbf16, #tpu.memory_space<vmem>>, vector<192x128xbf16>
    %slice3A_30 = vector.extract_strided_slice %get3A_29 {offsets = [0, 0], sizes = [192, 64], strides = [1, 1]} : vector<192x128xbf16> to vector<192x64xbf16>
    %dot_general3A = arith.constant dense<0.000000e+00> : vector<512x192xf32>
    %dot_general3A_31 = tpu.matmul %mul3A_26, %slice3A_30, %dot_general3A {dimension_numbers = #tpu.dot_dimension_numbers<[1], [1], [0], [0], [0, 0, 1, 0], [], []>, transpose_lhs_hint = false} : vector<512x64xbf16>, vector<192x64xbf16>, vector<512x192xf32> -> vector<512x192xf32>
    %jit3A = arith.constant -1.000000e+09 : f32
    %broadcast_in_dim3A = vector.broadcast %jit3A : f32 to vector<512x192xf32>
    %select_n3A = arith.select %ge3A, %dot_general3A_31, %broadcast_in_dim3A : vector<512x192xi1>, vector<512x192xf32>
    %reduce_max3A = arith.constant dense<0xFF800000> : vector<512xf32>
    %reduce_max3A_32 = vector.multi_reduction <maximumf>, %select_n3A, %reduce_max3A [1] : vector<512x192xf32> to vector<512xf32>
    %broadcast_in_dim3A_33 = vector.shape_cast %reduce_max3A_32 : vector<512xf32> to vector<512x1xf32>
    %sub3A = vector.broadcast %broadcast_in_dim3A_33 : vector<512x1xf32> to vector<512x192xf32>
    %sub3A_34 = arith.subf %select_n3A, %sub3A : vector<512x192xf32>
    %exp3A = math.exp %sub3A_34 : vector<512x192xf32>
    %get3A_35 = arith.constant 0 : index
    %get3A_36 = arith.constant 0 : index
    %get3A_37 = vector.load %arg5[%get3A_35, %get3A_36] : memref<192x128xbf16, #tpu.memory_space<vmem>>, vector<192x128xbf16>
    %slice3A_38 = vector.extract_strided_slice %get3A_37 {offsets = [0, 0], sizes = [192, 64], strides = [1, 1]} : vector<192x128xbf16> to vector<192x64xbf16>
    %dot_general3A_39 = arith.constant dense<0.000000e+00> : vector<512x64xf32>
    %dot_general3A_40 = tpu.matmul %exp3A, %slice3A_38, %dot_general3A_39 {dimension_numbers = #tpu.dot_dimension_numbers<[1], [0], [0], [1], [0, 0, 1, 1], [], []>, transpose_lhs_hint = false} : vector<512x192xf32>, vector<192x64xbf16>, vector<512x64xf32> -> vector<512x64xf32>
    %reduce_sum3A = arith.constant dense<0.000000e+00> : vector<512xf32>
    %reduce_sum3A_41 = vector.multi_reduction <add>, %exp3A, %reduce_sum3A [1] : vector<512x192xf32> to vector<512xf32>
    %broadcast_in_dim3A_42 = vector.shape_cast %reduce_sum3A_41 : vector<512xf32> to vector<512x1xf32>
    %div3A = vector.broadcast %broadcast_in_dim3A_42 : vector<512x1xf32> to vector<512x64xf32>
    %div3A_43 = arith.divf %dot_general3A_40, %div3A : vector<512x64xf32>
    %slice3A_44 = vector.extract_strided_slice %get3A_4 {offsets = [0, 0], sizes = [512, 64], strides = [1, 1]} : vector<512x128xbf16> to vector<512x64xbf16>
    %mul3A_45 = arith.constant 1.250000e-01 : bf16
    %mul3A_46 = vector.broadcast %mul3A_45 : bf16 to vector<512x64xbf16>
    %mul3A_47 = arith.mulf %slice3A_44, %mul3A_46 : vector<512x64xbf16>
    %get3A_48 = arith.constant 0 : index
    %get3A_49 = arith.constant 0 : index
    %get3A_50 = vector.load %arg6[%get3A_48, %get3A_49] : memref<64x128xbf16, #tpu.memory_space<vmem>>, vector<64x128xbf16>
    %slice3A_51 = vector.extract_strided_slice %get3A_50 {offsets = [0, 0], sizes = [64, 64], strides = [1, 1]} : vector<64x128xbf16> to vector<64x64xbf16>
    %dot_general3A_52 = arith.constant dense<0.000000e+00> : vector<512x64xf32>
    %dot_general3A_53 = tpu.matmul %mul3A_47, %slice3A_51, %dot_general3A_52 {dimension_numbers = #tpu.dot_dimension_numbers<[1], [1], [0], [0], [0, 0, 1, 0], [], []>, transpose_lhs_hint = false} : vector<512x64xbf16>, vector<64x64xbf16>, vector<512x64xf32> -> vector<512x64xf32>
    %jit3A_54 = arith.constant -1.000000e+09 : f32
    %broadcast_in_dim3A_55 = vector.broadcast %jit3A_54 : f32 to vector<512x64xf32>
    %select_n3A_56 = arith.select %ge3A_23, %dot_general3A_53, %broadcast_in_dim3A_55 : vector<512x64xi1>, vector<512x64xf32>
    %reduce_max3A_57 = arith.constant dense<0xFF800000> : vector<512xf32>
    %reduce_max3A_58 = vector.multi_reduction <maximumf>, %select_n3A_56, %reduce_max3A_57 [1] : vector<512x64xf32> to vector<512xf32>
    %broadcast_in_dim3A_59 = vector.shape_cast %reduce_max3A_58 : vector<512xf32> to vector<512x1xf32>
    %sub3A_60 = vector.broadcast %broadcast_in_dim3A_59 : vector<512x1xf32> to vector<512x64xf32>
    %sub3A_61 = arith.subf %select_n3A_56, %sub3A_60 : vector<512x64xf32>
    %exp3A_62 = math.exp %sub3A_61 : vector<512x64xf32>
    %get3A_63 = arith.constant 0 : index
    %get3A_64 = arith.constant 0 : index
    %get3A_65 = vector.load %arg7[%get3A_63, %get3A_64] : memref<64x128xbf16, #tpu.memory_space<vmem>>, vector<64x128xbf16>
    %slice3A_66 = vector.extract_strided_slice %get3A_65 {offsets = [0, 0], sizes = [64, 64], strides = [1, 1]} : vector<64x128xbf16> to vector<64x64xbf16>
    %dot_general3A_67 = arith.constant dense<0.000000e+00> : vector<512x64xf32>
    %dot_general3A_68 = tpu.matmul %exp3A_62, %slice3A_66, %dot_general3A_67 {dimension_numbers = #tpu.dot_dimension_numbers<[1], [0], [0], [1], [0, 0, 1, 1], [], []>, transpose_lhs_hint = false} : vector<512x64xf32>, vector<64x64xbf16>, vector<512x64xf32> -> vector<512x64xf32>
    %reduce_sum3A_69 = arith.constant dense<0.000000e+00> : vector<512xf32>
    %reduce_sum3A_70 = vector.multi_reduction <add>, %exp3A_62, %reduce_sum3A_69 [1] : vector<512x64xf32> to vector<512xf32>
    %broadcast_in_dim3A_71 = vector.shape_cast %reduce_sum3A_70 : vector<512xf32> to vector<512x1xf32>
    %div3A_72 = vector.broadcast %broadcast_in_dim3A_71 : vector<512x1xf32> to vector<512x64xf32>
    %div3A_73 = arith.divf %dot_general3A_68, %div3A_72 : vector<512x64xf32>
    %slice3A_74 = vector.extract_strided_slice %get3A_1 {offsets = [0, 64], sizes = [512, 64], strides = [1, 1]} : vector<512x128xbf16> to vector<512x64xbf16>
    %mul3A_75 = arith.constant 1.250000e-01 : bf16
    %mul3A_76 = vector.broadcast %mul3A_75 : bf16 to vector<512x64xbf16>
    %mul3A_77 = arith.mulf %slice3A_74, %mul3A_76 : vector<512x64xbf16>
    %get3A_78 = arith.constant 0 : index
    %get3A_79 = arith.constant 0 : index
    %get3A_80 = vector.load %arg4[%get3A_78, %get3A_79] : memref<192x128xbf16, #tpu.memory_space<vmem>>, vector<192x128xbf16>
    %slice3A_81 = vector.extract_strided_slice %get3A_80 {offsets = [0, 64], sizes = [192, 64], strides = [1, 1]} : vector<192x128xbf16> to vector<192x64xbf16>
    %dot_general3A_82 = arith.constant dense<0.000000e+00> : vector<512x192xf32>
    %dot_general3A_83 = tpu.matmul %mul3A_77, %slice3A_81, %dot_general3A_82 {dimension_numbers = #tpu.dot_dimension_numbers<[1], [1], [0], [0], [0, 0, 1, 0], [], []>, transpose_lhs_hint = false} : vector<512x64xbf16>, vector<192x64xbf16>, vector<512x192xf32> -> vector<512x192xf32>
    %jit3A_84 = arith.constant -1.000000e+09 : f32
    %broadcast_in_dim3A_85 = vector.broadcast %jit3A_84 : f32 to vector<512x192xf32>
    %select_n3A_86 = arith.select %ge3A, %dot_general3A_83, %broadcast_in_dim3A_85 : vector<512x192xi1>, vector<512x192xf32>
    %reduce_max3A_87 = arith.constant dense<0xFF800000> : vector<512xf32>
    %reduce_max3A_88 = vector.multi_reduction <maximumf>, %select_n3A_86, %reduce_max3A_87 [1] : vector<512x192xf32> to vector<512xf32>
    %broadcast_in_dim3A_89 = vector.shape_cast %reduce_max3A_88 : vector<512xf32> to vector<512x1xf32>
    %sub3A_90 = vector.broadcast %broadcast_in_dim3A_89 : vector<512x1xf32> to vector<512x192xf32>
    %sub3A_91 = arith.subf %select_n3A_86, %sub3A_90 : vector<512x192xf32>
    %exp3A_92 = math.exp %sub3A_91 : vector<512x192xf32>
    %get3A_93 = arith.constant 0 : index
    %get3A_94 = arith.constant 0 : index
    %get3A_95 = vector.load %arg5[%get3A_93, %get3A_94] : memref<192x128xbf16, #tpu.memory_space<vmem>>, vector<192x128xbf16>
    %slice3A_96 = vector.extract_strided_slice %get3A_95 {offsets = [0, 64], sizes = [192, 64], strides = [1, 1]} : vector<192x128xbf16> to vector<192x64xbf16>
    %dot_general3A_97 = arith.constant dense<0.000000e+00> : vector<512x64xf32>
    %dot_general3A_98 = tpu.matmul %exp3A_92, %slice3A_96, %dot_general3A_97 {dimension_numbers = #tpu.dot_dimension_numbers<[1], [0], [0], [1], [0, 0, 1, 1], [], []>, transpose_lhs_hint = false} : vector<512x192xf32>, vector<192x64xbf16>, vector<512x64xf32> -> vector<512x64xf32>
    %reduce_sum3A_99 = arith.constant dense<0.000000e+00> : vector<512xf32>
    %reduce_sum3A_100 = vector.multi_reduction <add>, %exp3A_92, %reduce_sum3A_99 [1] : vector<512x192xf32> to vector<512xf32>
    %broadcast_in_dim3A_101 = vector.shape_cast %reduce_sum3A_100 : vector<512xf32> to vector<512x1xf32>
    %div3A_102 = vector.broadcast %broadcast_in_dim3A_101 : vector<512x1xf32> to vector<512x64xf32>
    %div3A_103 = arith.divf %dot_general3A_98, %div3A_102 : vector<512x64xf32>
    %slice3A_104 = vector.extract_strided_slice %get3A_4 {offsets = [0, 64], sizes = [512, 64], strides = [1, 1]} : vector<512x128xbf16> to vector<512x64xbf16>
    %mul3A_105 = arith.constant 1.250000e-01 : bf16
    %mul3A_106 = vector.broadcast %mul3A_105 : bf16 to vector<512x64xbf16>
    %mul3A_107 = arith.mulf %slice3A_104, %mul3A_106 : vector<512x64xbf16>
    %get3A_108 = arith.constant 0 : index
    %get3A_109 = arith.constant 0 : index
    %get3A_110 = vector.load %arg6[%get3A_108, %get3A_109] : memref<64x128xbf16, #tpu.memory_space<vmem>>, vector<64x128xbf16>
    %slice3A_111 = vector.extract_strided_slice %get3A_110 {offsets = [0, 64], sizes = [64, 64], strides = [1, 1]} : vector<64x128xbf16> to vector<64x64xbf16>
    %dot_general3A_112 = arith.constant dense<0.000000e+00> : vector<512x64xf32>
    %dot_general3A_113 = tpu.matmul %mul3A_107, %slice3A_111, %dot_general3A_112 {dimension_numbers = #tpu.dot_dimension_numbers<[1], [1], [0], [0], [0, 0, 1, 0], [], []>, transpose_lhs_hint = false} : vector<512x64xbf16>, vector<64x64xbf16>, vector<512x64xf32> -> vector<512x64xf32>
    %jit3A_114 = arith.constant -1.000000e+09 : f32
    %broadcast_in_dim3A_115 = vector.broadcast %jit3A_114 : f32 to vector<512x64xf32>
    %select_n3A_116 = arith.select %ge3A_23, %dot_general3A_113, %broadcast_in_dim3A_115 : vector<512x64xi1>, vector<512x64xf32>
    %reduce_max3A_117 = arith.constant dense<0xFF800000> : vector<512xf32>
    %reduce_max3A_118 = vector.multi_reduction <maximumf>, %select_n3A_116, %reduce_max3A_117 [1] : vector<512x64xf32> to vector<512xf32>
    %broadcast_in_dim3A_119 = vector.shape_cast %reduce_max3A_118 : vector<512xf32> to vector<512x1xf32>
    %sub3A_120 = vector.broadcast %broadcast_in_dim3A_119 : vector<512x1xf32> to vector<512x64xf32>
    %sub3A_121 = arith.subf %select_n3A_116, %sub3A_120 : vector<512x64xf32>
    %exp3A_122 = math.exp %sub3A_121 : vector<512x64xf32>
    %get3A_123 = arith.constant 0 : index
    %get3A_124 = arith.constant 0 : index
    %get3A_125 = vector.load %arg7[%get3A_123, %get3A_124] : memref<64x128xbf16, #tpu.memory_space<vmem>>, vector<64x128xbf16>
    %slice3A_126 = vector.extract_strided_slice %get3A_125 {offsets = [0, 64], sizes = [64, 64], strides = [1, 1]} : vector<64x128xbf16> to vector<64x64xbf16>
    %dot_general3A_127 = arith.constant dense<0.000000e+00> : vector<512x64xf32>
    %dot_general3A_128 = tpu.matmul %exp3A_122, %slice3A_126, %dot_general3A_127 {dimension_numbers = #tpu.dot_dimension_numbers<[1], [0], [0], [1], [0, 0, 1, 1], [], []>, transpose_lhs_hint = false} : vector<512x64xf32>, vector<64x64xbf16>, vector<512x64xf32> -> vector<512x64xf32>
    %reduce_sum3A_129 = arith.constant dense<0.000000e+00> : vector<512xf32>
    %reduce_sum3A_130 = vector.multi_reduction <add>, %exp3A_122, %reduce_sum3A_129 [1] : vector<512x64xf32> to vector<512xf32>
    %broadcast_in_dim3A_131 = vector.shape_cast %reduce_sum3A_130 : vector<512xf32> to vector<512x1xf32>
    %div3A_132 = vector.broadcast %broadcast_in_dim3A_131 : vector<512x1xf32> to vector<512x64xf32>
    %div3A_133 = arith.divf %dot_general3A_128, %div3A_132 : vector<512x64xf32>
    %concatenate3A = tpu.concatenate %div3A_43, %div3A_103 in 1 : vector<512x64xf32>, vector<512x64xf32> -> vector<512x128xf32>
    %convert_element_type3A_134 = arith.truncf %concatenate3A : vector<512x128xf32> to vector<512x128xbf16>
    %swap3A = arith.constant 0 : index
    %swap3A_135 = arith.constant 0 : index
    %swap3A_136 = vector.load %arg9[%swap3A, %swap3A_135] : memref<512x128xbf16, #tpu.memory_space<vmem>>, vector<512x128xbf16>
    tpu.vector_store %arg9[%swap3A, %swap3A_135], %convert_element_type3A_134 {strides = array<i32>} : memref<512x128xbf16, #tpu.memory_space<vmem>>, vector<512x128xbf16>,
    %concatenate3A_137 = tpu.concatenate %div3A_73, %div3A_133 in 1 : vector<512x64xf32>, vector<512x64xf32> -> vector<512x128xf32>
    %convert_element_type3A_138 = arith.truncf %concatenate3A_137 : vector<512x128xf32> to vector<512x128xbf16>
    %swap3A_139 = arith.constant 0 : index
    %swap3A_140 = arith.constant 0 : index
    %swap3A_141 = vector.load %arg10[%swap3A_139, %swap3A_140] : memref<512x128xbf16, #tpu.memory_space<vmem>>, vector<512x128xbf16>
    tpu.vector_store %arg10[%swap3A_139, %swap3A_140], %convert_element_type3A_138 {strides = array<i32>} : memref<512x128xbf16, #tpu.memory_space<vmem>>, vector<512x128xbf16>,
    return
  }
  func.func @transform_0(%arg0: i32, %arg1: i32) -> (i32, i32) {
    %c0_i32 = arith.constant 0 : i32
    return %arg1, %arg0 : i32, i32
  }
  func.func @transform_1(%arg0: i32, %arg1: i32) -> (i32, i32) {
    %c0_i32 = arith.constant 0 : i32
    return %arg1, %arg0 : i32, i32
  }
  func.func @transform_2(%arg0: i32, %arg1: i32) -> (i32, i32) {
    %c0_i32 = arith.constant 0 : i32
    %c0_i32_0 = arith.constant 0 : i32
    return %c0_i32, %arg0 : i32, i32
  }
  func.func @transform_3(%arg0: i32, %arg1: i32) -> (i32, i32) {
    %add3A = arith.constant 8 : i32
    %add3A_0 = arith.addi %add3A, %arg0 : i32
    %c0_i32 = arith.constant 0 : i32
    %c0_i32_1 = arith.constant 0 : i32
    return %c0_i32, %add3A_0 : i32, i32
  }
  func.func @transform_4(%arg0: i32, %arg1: i32) -> (i32, i32) {
    %c0_i32 = arith.constant 0 : i32
    %c0_i32_0 = arith.constant 0 : i32
    return %c0_i32, %arg0 : i32, i32
  }
  func.func @transform_5(%arg0: i32, %arg1: i32) -> (i32, i32) {
    %add3A = arith.constant 8 : i32
    %add3A_0 = arith.addi %add3A, %arg0 : i32
    %c0_i32 = arith.constant 0 : i32
    %c0_i32_1 = arith.constant 0 : i32
    return %c0_i32, %add3A_0 : i32, i32
  }
  func.func @transform_6(%arg0: i32, %arg1: i32) -> (i32, i32) {
    %c0_i32 = arith.constant 0 : i32
    %c0_i32_0 = arith.constant 0 : i32
    %c0_i32_1 = arith.constant 0 : i32
    return %c0_i32, %c0_i32_0 : i32, i32
  }
  func.func @transform_7(%arg0: i32, %arg1: i32) -> (i32, i32) {
    %c0_i32 = arith.constant 0 : i32
    return %arg1, %arg0 : i32, i32
  }
  func.func @transform_8(%arg0: i32, %arg1: i32) -> (i32, i32) {
    %c0_i32 = arith.constant 0 : i32
    return %arg1, %arg0 : i32, i32
  }
}

module attributes {stable_mosaic.version = 14 : i64} {
  func.func @_combine_kernel(%arg0: i32, %arg1: memref<256x1024xf32, #tpu.memory_space<vmem>>, %arg2: memref<256x1024xbf16, #tpu.memory_space<vmem>>, %arg3: memref<256x1024xbf16, #tpu.memory_space<vmem>>, %arg4: memref<256x1024xbf16, #tpu.memory_space<vmem>>, %arg5: memref<1024x1024xf32, #tpu.memory_space<vmem>>, %arg6: memref<1x1024xf32, #tpu.memory_space<vmem>>, %arg7: memref<1024x1024xf32, #tpu.memory_space<vmem>>, %arg8: memref<1x1024xf32, #tpu.memory_space<vmem>>, %arg9: memref<1024x1024xf32, #tpu.memory_space<vmem>>, %arg10: memref<1x1024xf32, #tpu.memory_space<vmem>>, %arg11: memref<1024x1024xf32, #tpu.memory_space<vmem>>, %arg12: memref<1x1024xf32, #tpu.memory_space<vmem>>, %arg13: memref<1024x1024xf32, #tpu.memory_space<vmem>>, %arg14: memref<1x1024xf32, #tpu.memory_space<vmem>>, %arg15: memref<256x1024xf32, #tpu.memory_space<vmem>>) attributes {dimension_semantics = [#tpu.dimension_semantics<arbitrary>], iteration_bounds = array<i64: 8>, scalar_prefetch = 0 : i64, scratch_operands = 0 : i64, tpu.core_type = #tpu.core_type<tc>, window_params = [{transform_indices = @transform_0, window_bounds = array<i64: 256, 1024>}, {transform_indices = @transform_1, window_bounds = array<i64: 256, 1024>}, {transform_indices = @transform_2, window_bounds = array<i64: 256, 1024>}, {transform_indices = @transform_3, window_bounds = array<i64: 256, 1024>}, {pipeline_mode = #tpu.pipeline_mode<synchronous>, transform_indices = @transform_4, window_bounds = array<i64: 1024, 1024>}, {pipeline_mode = #tpu.pipeline_mode<synchronous>, transform_indices = @transform_5, window_bounds = array<i64: 1, 1024>}, {pipeline_mode = #tpu.pipeline_mode<synchronous>, transform_indices = @transform_6, window_bounds = array<i64: 1024, 1024>}, {pipeline_mode = #tpu.pipeline_mode<synchronous>, transform_indices = @transform_7, window_bounds = array<i64: 1, 1024>}, {pipeline_mode = #tpu.pipeline_mode<synchronous>, transform_indices = @transform_8, window_bounds = array<i64: 1024, 1024>}, {pipeline_mode = #tpu.pipeline_mode<synchronous>, transform_indices = @transform_9, window_bounds = array<i64: 1, 1024>}, {pipeline_mode = #tpu.pipeline_mode<synchronous>, transform_indices = @transform_10, window_bounds = array<i64: 1024, 1024>}, {pipeline_mode = #tpu.pipeline_mode<synchronous>, transform_indices = @transform_11, window_bounds = array<i64: 1, 1024>}, {pipeline_mode = #tpu.pipeline_mode<synchronous>, transform_indices = @transform_12, window_bounds = array<i64: 1024, 1024>}, {pipeline_mode = #tpu.pipeline_mode<synchronous>, transform_indices = @transform_13, window_bounds = array<i64: 1, 1024>}, {transform_indices = @transform_14, window_bounds = array<i64: 256, 1024>}]} {
    %get3A = arith.constant 0 : index
    %get3A_0 = arith.constant 0 : index
    %get3A_1 = vector.load %arg1[%get3A, %get3A_0] : memref<256x1024xf32, #tpu.memory_space<vmem>>, vector<256x1024xf32>
    %get3A_2 = arith.constant 0 : index
    %get3A_3 = arith.constant 0 : index
    %get3A_4 = vector.load %arg2[%get3A_2, %get3A_3] : memref<256x1024xbf16, #tpu.memory_space<vmem>>, vector<256x1024xbf16>
    %get3A_5 = arith.constant 0 : index
    %get3A_6 = arith.constant 0 : index
    %get3A_7 = vector.load %arg5[%get3A_5, %get3A_6] : memref<1024x1024xf32, #tpu.memory_space<vmem>>, vector<1024x1024xf32>
    %dot_general3A = arith.constant dense<0.000000e+00> : vector<256x1024xf32>
    %dot_general3A_8 = tpu.matmul %get3A_4, %get3A_7, %dot_general3A {dimension_numbers = #tpu.dot_dimension_numbers<[1], [0], [0], [1], [0, 0, 1, 1], [], []>, transpose_lhs_hint = false} : vector<256x1024xbf16>, vector<1024x1024xf32>, vector<256x1024xf32> -> vector<256x1024xf32>
    %get3A_9 = arith.constant 0 : index
    %get3A_10 = arith.constant 0 : index
    %get3A_11 = vector.load %arg6[%get3A_9, %get3A_10] : memref<1x1024xf32, #tpu.memory_space<vmem>>, vector<1x1024xf32>
    %add3A = vector.broadcast %get3A_11 : vector<1x1024xf32> to vector<256x1024xf32>
    %add3A_12 = arith.addf %dot_general3A_8, %add3A : vector<256x1024xf32>
    %get3A_13 = arith.constant 0 : index
    %get3A_14 = arith.constant 0 : index
    %get3A_15 = vector.load %arg11[%get3A_13, %get3A_14] : memref<1024x1024xf32, #tpu.memory_space<vmem>>, vector<1024x1024xf32>
    %dot_general3A_16 = arith.constant dense<0.000000e+00> : vector<256x1024xf32>
    %dot_general3A_17 = tpu.matmul %get3A_1, %get3A_15, %dot_general3A_16 {dimension_numbers = #tpu.dot_dimension_numbers<[1], [0], [0], [1], [0, 0, 1, 1], [], []>, transpose_lhs_hint = false} : vector<256x1024xf32>, vector<1024x1024xf32>, vector<256x1024xf32> -> vector<256x1024xf32>
    %get3A_18 = arith.constant 0 : index
    %get3A_19 = arith.constant 0 : index
    %get3A_20 = vector.load %arg12[%get3A_18, %get3A_19] : memref<1x1024xf32, #tpu.memory_space<vmem>>, vector<1x1024xf32>
    %add3A_21 = vector.broadcast %get3A_20 : vector<1x1024xf32> to vector<256x1024xf32>
    %add3A_22 = arith.addf %dot_general3A_17, %add3A_21 : vector<256x1024xf32>
    %logistic3A = arith.negf %add3A_22 : vector<256x1024xf32>
    %logistic3A_23 = math.exp %logistic3A : vector<256x1024xf32>
    %logistic3A_24 = arith.constant 1.000000e+00 : f32
    %logistic3A_25 = vector.broadcast %logistic3A_24 : f32 to vector<256x1024xf32>
    %logistic3A_26 = arith.addf %logistic3A_25, %logistic3A_23 : vector<256x1024xf32>
    %logistic3A_27 = arith.divf %logistic3A_25, %logistic3A_26 : vector<256x1024xf32>
    %get3A_28 = arith.constant 0 : index
    %get3A_29 = arith.constant 0 : index
    %get3A_30 = vector.load %arg3[%get3A_28, %get3A_29] : memref<256x1024xbf16, #tpu.memory_space<vmem>>, vector<256x1024xbf16>
    %get3A_31 = arith.constant 0 : index
    %get3A_32 = arith.constant 0 : index
    %get3A_33 = vector.load %arg7[%get3A_31, %get3A_32] : memref<1024x1024xf32, #tpu.memory_space<vmem>>, vector<1024x1024xf32>
    %dot_general3A_34 = arith.constant dense<0.000000e+00> : vector<256x1024xf32>
    %dot_general3A_35 = tpu.matmul %get3A_30, %get3A_33, %dot_general3A_34 {dimension_numbers = #tpu.dot_dimension_numbers<[1], [0], [0], [1], [0, 0, 1, 1], [], []>, transpose_lhs_hint = false} : vector<256x1024xbf16>, vector<1024x1024xf32>, vector<256x1024xf32> -> vector<256x1024xf32>
    %get3A_36 = arith.constant 0 : index
    %get3A_37 = arith.constant 0 : index
    %get3A_38 = vector.load %arg8[%get3A_36, %get3A_37] : memref<1x1024xf32, #tpu.memory_space<vmem>>, vector<1x1024xf32>
    %add3A_39 = vector.broadcast %get3A_38 : vector<1x1024xf32> to vector<256x1024xf32>
    %add3A_40 = arith.addf %dot_general3A_35, %add3A_39 : vector<256x1024xf32>
    %mul3A = arith.mulf %logistic3A_27, %add3A_40 : vector<256x1024xf32>
    %add3A_41 = arith.addf %add3A_12, %mul3A : vector<256x1024xf32>
    %get3A_42 = arith.constant 0 : index
    %get3A_43 = arith.constant 0 : index
    %get3A_44 = vector.load %arg13[%get3A_42, %get3A_43] : memref<1024x1024xf32, #tpu.memory_space<vmem>>, vector<1024x1024xf32>
    %dot_general3A_45 = arith.constant dense<0.000000e+00> : vector<256x1024xf32>
    %dot_general3A_46 = tpu.matmul %get3A_1, %get3A_44, %dot_general3A_45 {dimension_numbers = #tpu.dot_dimension_numbers<[1], [0], [0], [1], [0, 0, 1, 1], [], []>, transpose_lhs_hint = false} : vector<256x1024xf32>, vector<1024x1024xf32>, vector<256x1024xf32> -> vector<256x1024xf32>
    %get3A_47 = arith.constant 0 : index
    %get3A_48 = arith.constant 0 : index
    %get3A_49 = vector.load %arg14[%get3A_47, %get3A_48] : memref<1x1024xf32, #tpu.memory_space<vmem>>, vector<1x1024xf32>
    %add3A_50 = vector.broadcast %get3A_49 : vector<1x1024xf32> to vector<256x1024xf32>
    %add3A_51 = arith.addf %dot_general3A_46, %add3A_50 : vector<256x1024xf32>
    %logistic3A_52 = arith.negf %add3A_51 : vector<256x1024xf32>
    %logistic3A_53 = math.exp %logistic3A_52 : vector<256x1024xf32>
    %logistic3A_54 = arith.constant 1.000000e+00 : f32
    %logistic3A_55 = vector.broadcast %logistic3A_54 : f32 to vector<256x1024xf32>
    %logistic3A_56 = arith.addf %logistic3A_55, %logistic3A_53 : vector<256x1024xf32>
    %logistic3A_57 = arith.divf %logistic3A_55, %logistic3A_56 : vector<256x1024xf32>
    %get3A_58 = arith.constant 0 : index
    %get3A_59 = arith.constant 0 : index
    %get3A_60 = vector.load %arg4[%get3A_58, %get3A_59] : memref<256x1024xbf16, #tpu.memory_space<vmem>>, vector<256x1024xbf16>
    %get3A_61 = arith.constant 0 : index
    %get3A_62 = arith.constant 0 : index
    %get3A_63 = vector.load %arg9[%get3A_61, %get3A_62] : memref<1024x1024xf32, #tpu.memory_space<vmem>>, vector<1024x1024xf32>
    %dot_general3A_64 = arith.constant dense<0.000000e+00> : vector<256x1024xf32>
    %dot_general3A_65 = tpu.matmul %get3A_60, %get3A_63, %dot_general3A_64 {dimension_numbers = #tpu.dot_dimension_numbers<[1], [0], [0], [1], [0, 0, 1, 1], [], []>, transpose_lhs_hint = false} : vector<256x1024xbf16>, vector<1024x1024xf32>, vector<256x1024xf32> -> vector<256x1024xf32>
    %get3A_66 = arith.constant 0 : index
    %get3A_67 = arith.constant 0 : index
    %get3A_68 = vector.load %arg10[%get3A_66, %get3A_67] : memref<1x1024xf32, #tpu.memory_space<vmem>>, vector<1x1024xf32>
    %add3A_69 = vector.broadcast %get3A_68 : vector<1x1024xf32> to vector<256x1024xf32>
    %add3A_70 = arith.addf %dot_general3A_65, %add3A_69 : vector<256x1024xf32>
    %mul3A_71 = arith.mulf %logistic3A_57, %add3A_70 : vector<256x1024xf32>
    %add3A_72 = arith.addf %add3A_41, %mul3A_71 : vector<256x1024xf32>
    %swap3A = arith.constant 0 : index
    %swap3A_73 = arith.constant 0 : index
    %swap3A_74 = vector.load %arg15[%swap3A, %swap3A_73] : memref<256x1024xf32, #tpu.memory_space<vmem>>, vector<256x1024xf32>
    tpu.vector_store %arg15[%swap3A, %swap3A_73], %add3A_72 {strides = array<i32>} : memref<256x1024xf32, #tpu.memory_space<vmem>>, vector<256x1024xf32>,
    return
  }
  func.func @transform_0(%arg0: i32) -> (i32, i32) {
    %c0_i32 = arith.constant 0 : i32
    %c0_i32_0 = arith.constant 0 : i32
    return %arg0, %c0_i32 : i32, i32
  }
  func.func @transform_1(%arg0: i32) -> (i32, i32) {
    %c0_i32 = arith.constant 0 : i32
    %c0_i32_0 = arith.constant 0 : i32
    return %arg0, %c0_i32 : i32, i32
  }
  func.func @transform_2(%arg0: i32) -> (i32, i32) {
    %c0_i32 = arith.constant 0 : i32
    %c0_i32_0 = arith.constant 0 : i32
    return %arg0, %c0_i32 : i32, i32
  }
  func.func @transform_3(%arg0: i32) -> (i32, i32) {
    %c0_i32 = arith.constant 0 : i32
    %c0_i32_0 = arith.constant 0 : i32
    return %arg0, %c0_i32 : i32, i32
  }
  func.func @transform_4(%arg0: i32) -> (i32, i32) {
    %c0_i32 = arith.constant 0 : i32
    %c0_i32_0 = arith.constant 0 : i32
    %c0_i32_1 = arith.constant 0 : i32
    return %c0_i32, %c0_i32_0 : i32, i32
  }
  func.func @transform_5(%arg0: i32) -> (i32, i32) {
    %c0_i32 = arith.constant 0 : i32
    %c0_i32_0 = arith.constant 0 : i32
    %c0_i32_1 = arith.constant 0 : i32
    return %c0_i32, %c0_i32_0 : i32, i32
  }
  func.func @transform_6(%arg0: i32) -> (i32, i32) {
    %c0_i32 = arith.constant 0 : i32
    %c0_i32_0 = arith.constant 0 : i32
    %c0_i32_1 = arith.constant 0 : i32
    return %c0_i32, %c0_i32_0 : i32, i32
  }
  func.func @transform_7(%arg0: i32) -> (i32, i32) {
    %c0_i32 = arith.constant 0 : i32
    %c0_i32_0 = arith.constant 0 : i32
    %c0_i32_1 = arith.constant 0 : i32
    return %c0_i32, %c0_i32_0 : i32, i32
  }
  func.func @transform_8(%arg0: i32) -> (i32, i32) {
    %c0_i32 = arith.constant 0 : i32
    %c0_i32_0 = arith.constant 0 : i32
    %c0_i32_1 = arith.constant 0 : i32
    return %c0_i32, %c0_i32_0 : i32, i32
  }
  func.func @transform_9(%arg0: i32) -> (i32, i32) {
    %c0_i32 = arith.constant 0 : i32
    %c0_i32_0 = arith.constant 0 : i32
    %c0_i32_1 = arith.constant 0 : i32
    return %c0_i32, %c0_i32_0 : i32, i32
  }
  func.func @transform_10(%arg0: i32) -> (i32, i32) {
    %c0_i32 = arith.constant 0 : i32
    %c0_i32_0 = arith.constant 0 : i32
    %c0_i32_1 = arith.constant 0 : i32
    return %c0_i32, %c0_i32_0 : i32, i32
  }
  func.func @transform_11(%arg0: i32) -> (i32, i32) {
    %c0_i32 = arith.constant 0 : i32
    %c0_i32_0 = arith.constant 0 : i32
    %c0_i32_1 = arith.constant 0 : i32
    return %c0_i32, %c0_i32_0 : i32, i32
  }
  func.func @transform_12(%arg0: i32) -> (i32, i32) {
    %c0_i32 = arith.constant 0 : i32
    %c0_i32_0 = arith.constant 0 : i32
    %c0_i32_1 = arith.constant 0 : i32
    return %c0_i32, %c0_i32_0 : i32, i32
  }
  func.func @transform_13(%arg0: i32) -> (i32, i32) {
    %c0_i32 = arith.constant 0 : i32
    %c0_i32_0 = arith.constant 0 : i32
    %c0_i32_1 = arith.constant 0 : i32
    return %c0_i32, %c0_i32_0 : i32, i32
  }
  func.func @transform_14(%arg0: i32) -> (i32, i32) {
    %c0_i32 = arith.constant 0 : i32
    %c0_i32_0 = arith.constant 0 : i32
    return %arg0, %c0_i32 : i32, i32
  }
}

</mosaic_0001>

<sc_bundles>
// kernel: kernel.11.cloned.1.call-start
scs
__scs_entry_jumppad:
0x0: {  	(pc) =	sbr.rel $0x88, $3  }
0x1: {  	(tag) =	ssettag $0x0;
	lr =	simm.s32 $0x1  }
0x2: {  	[smem:$0x3F86] =	sst lr;
	_ =	strace $0xD0000000  }
0x3: {  	_ = 	snop  }
0x4: {  	_ = 	snop  }
0x5: {  	_ = 	snop  }
0x6: {  	_ = 	snop  }
0x7: {  	_ = 	snop  }
__scs_overlays_trampoline_lowered:
0x8: {  	[smem:$0x3F95] =	sst s0  }
0x9: {  	[smem:$0x3F96] =	sst s1  }
0xa: {  	[smem:$0x3F97] =	sst s2  }
0xb: {  	[smem:$0x3F98] =	sst s3  }
0xc: {  	[smem:$0x3F99] =	sst s4  }
0xd: {  	[smem:$0x3F9A] =	sst s5  }
0xe: {  	[smem:$0x3F9B] =	sst s6  }
0xf: {  	[smem:$0x3F9C] =	sst s7  }
0x10: {  	[smem:$0x3F9D] =	sst s8  }
0x11: {  	[smem:$0x3F9E] =	sst s9;
	s0 =	simm.s32 @!p0 $0x0  }
0x12: {  	s1 =	sld [smem:$0x3F84];
	s0 =	simm.s32 @p0 $0x1  }
0x13: {  	[smem:$0x3F9F] =	sst s0;
	s0 =	simm.s32 @!p1 $0x0  }
0x14: {  	s2 =	sld [smem:$0x3F83];
	s0 =	simm.s32 @p1 $0x1  }
0x15: {  	[smem:$0x3FA0] =	sst s0;
	s0 =	simm.s32 @!p2 $0x0  }
0x16: {  	s3 =	sld [smem:$0x3FDB];
	s0 =	simm.s32 @p2 $0x1  }
0x17: {  	s4 =	simm.s32 $0x1BF5;
	[smem:$0x3FA2] =	sst s0  }
0x18: {  	s0 =	sld [smem:$0x3F85];
	_ =	swait.ge [sflag:s4], $0x0  }
0x19: {  	s7 =	sld [smem:$0x3F86]  }
0x1a: {  	s8 =	sadd.s32 $0xFFFFE003, lr  }
0x1b: {  	s9 =	sadd.s32 $0xFFFFFEF7, lr;
	s5 =	simm.s32 $0xFFFFFFFF;
	p2 =	slt.u32 s8, $0xFFFFF086  }
0x1c: {  	p1 =	slt.u32 s9, $0xF7A;
	s5 =	simm.s32 @!p2 $0x0  }
0x1d: {  	s5 =	simm.s32 @p1 $0x1;
	p0 =	seq.s32 s7, s2  }
0x1e: {  	s7 =	smul.u32 @!p0 $0xF7A, s2;
	p2 =	seq.s32 @!p0 s5, $0x0  }
0x1f: {  	s9 =	smul.u32 $0xF7A, s1;
	s8 =	simm.s32 @!p0 $0x1BF5;
	p2 =	por !p2, p0  }
0x20: {  	[sflag:s8] =	ssyncset.s32 @!p0 $0xFFFFF086;
	s6 =	sadd.s32 @!p0 s3, s7;
	s7 =	simm.s32 @!p0 $0x108  }
0x21: {  	s3 =	sadd.s32 s3, s9;
	s6 =	sadd.s32 @!p0 $0x88, s6;
	s7 =	simm.s32 @p2 $0x1082  }
0x22: {  	[simem:s7], [sflag:s8] =	dma.local @!p0 [hbm:s6], $0xF7A  }
0x23: {  	s9 =	sor.u32 $0xD0000000, s2;
	s6 =	simm.s32 $0x108;
	_ =	swait.ge @!p0 [sflag:s8], $0x0  }
0x24: {  	s3 =	sadd.s32 $0x88, s3;
	s6 =	simm.s32 @!p1 $0x1082;
	[sflag:s4] =	ssyncset.s32 $0xFFFFF086  }
0x25: {  	[simem:s6], [sflag:s4] =	dma.local [hbm:s3], $0xF7A  }
0x26: {  	[smem:$0x3F86] =	sst s1;
	(tag) =	ssettag s2;
	_ =	strace s9  }
0x27: {  	s1 =	sld [smem:$0x3F96]  }
0x28: {  	s2 =	sld [smem:$0x3F97]  }
0x29: {  	s4 =	sld [smem:$0x3F99]  }
0x2a: {  	p0 =	seq.s32 s5, $0x0;
	s5 =	sld [smem:$0x3F9A]  }
0x2b: {  	s6 =	sld [smem:$0x3F9B]  }
0x2c: {  	s7 =	sld [smem:$0x3F9C]  }
0x2d: {  	s3 =	simm.s32 $0x108;
	s8 =	sld [smem:$0x3F9D]  }
0x2e: {  	s3 =	simm.s32 @!p0 $0x1082;
	s9 =	sld [smem:$0x3F9E]  }
0x2f: {  	lr =	sadd.s32 s0, s3;
	s0 =	sld [smem:$0x3F95]  }
0x30: {  	s3 =	sld [smem:$0x3F98]  }
0x31: {  	[smem:$0x3FA1] =	sst s10  }
0x32: {  	s10 =	sld [smem:$0x3F9F];
	_ =	sdelay $0x3  }
0x33: {  	p0 =	seq.s32 s10, $0x1;
	s10 =	sld [smem:$0x3FA1];
	_ =	sdelay $0x3  }
0x34: {  	[smem:$0x3FA1] =	sst s10  }
0x35: {  	s10 =	sld [smem:$0x3FA0];
	_ =	sdelay $0x3  }
0x36: {  	p1 =	seq.s32 s10, $0x1;
	s10 =	sld [smem:$0x3FA1];
	_ =	sdelay $0x3  }
0x37: {  	[smem:$0x3FA1] =	sst s10  }
0x38: {  	s10 =	sld [smem:$0x3FA2]  }
0x39: {  	_ = 	snop;
	(pc) =	sbr.ind lr, $3  }
0x3a: {  	_ = 	snop  }
0x3b: {  	_ = 	snop  }
0x3c: {  	p2 =	seq.s32 s10, $0x1;
	s10 =	sld [smem:$0x3FA1]  }
0x3d: {  	_ =	shalt  }
0x3e: {  	_ =	shalt  }
0x3f: {  	_ =	shalt  }
0x40: {  	_ =	shalt  }
0x41: {  	_ =	shalt  }
0x42: {  	_ =	shalt  }
0x43: {  	_ =	shalt  }
0x44: {  	_ =	shalt  }
0x45: {  	_ =	shalt  }
0x46: {  	_ =	shalt  }
0x47: {  	_ =	shalt  }
0x48: {  	_ =	shalt  }
0x49: {  	_ =	shalt  }
0x4a: {  	_ =	shalt  }
0x4b: {  	_ =	shalt  }
0x4c: {  	_ =	shalt  }
0x4d: {  	_ =	shalt  }
0x4e: {  	_ =	shalt  }
0x4f: {  	_ =	shalt  }
0x50: {  	_ =	shalt  }
0x51: {  	_ =	shalt  }
0x52: {  	_ =	shalt  }
0x53: {  	_ =	shalt  }
0x54: {  	_ =	shalt  }
0x55: {  	_ =	shalt  }
0x56: {  	_ =	shalt  }
0x57: {  	_ =	shalt  }
0x58: {  	_ =	shalt  }
0x59: {  	_ =	shalt  }
0x5a: {  	_ =	shalt  }
0x5b: {  	_ =	shalt  }
0x5c: {  	_ =	shalt  }
0x5d: {  	_ =	shalt  }
0x5e: {  	_ =	shalt  }
0x5f: {  	_ =	shalt  }
0x60: {  	_ =	shalt  }
0x61: {  	_ =	shalt  }
0x62: {  	_ =	shalt  }
0x63: {  	_ =	shalt  }
0x64: {  	_ =	shalt  }
0x65: {  	_ =	shalt  }
0x66: {  	_ =	shalt  }
0x67: {  	_ =	shalt  }
0x68: {  	_ =	shalt  }
0x69: {  	_ =	shalt  }
0x6a: {  	_ =	shalt  }
0x6b: {  	_ =	shalt  }
0x6c: {  	_ =	shalt  }
0x6d: {  	_ =	shalt  }
0x6e: {  	_ =	shalt  }
0x6f: {  	_ =	shalt  }
0x70: {  	_ =	shalt  }
0x71: {  	_ =	shalt  }
0x72: {  	_ =	shalt  }
0x73: {  	_ =	shalt  }
0x74: {  	_ =	shalt  }
0x75: {  	_ =	shalt  }
0x76: {  	_ =	shalt  }
0x77: {  	_ =	shalt  }
0x78: {  	_ =	shalt  }
0x79: {  	_ =	shalt  }
0x7a: {  	_ =	shalt  }
0x7b: {  	_ =	shalt  }
0x7c: {  	_ =	shalt  }
0x7d: {  	_ =	shalt  }
0x7e: {  	_ =	shalt  }
0x7f: {  	_ =	shalt  }
0x80: {  	_ =	shalt  }
0x81: {  	_ =	shalt  }
0x82: {  	_ =	shalt  }
0x83: {  	_ =	shalt  }
0x84: {  	_ =	shalt  }
0x85: {  	_ =	shalt  }
0x86: {  	_ =	shalt  }
0x87: {  	_ =	shalt  }
.Lfunc_end0:
.L_simem_size_0:
called_computation_lowered:
.L_overlay_start_0:
0x88: {  	s2 =	sld [smem:$0x3FD9]  }
0x89: {  	s3 =	sld [smem:$0x3FFE];
	_ =	sdelay $0x1  }
0x8a: {  	s1 =	srdreg.scid  }
0x8b: {  	s0 =	sand.u32 $0x1, s1  }
0x8c: {  	s17 =	sshll.u32 s0, $0xA;
	s2 =	sadd.s32 s3, s2  }
0x8d: {  	s2 =	sadd.s32 s2, s17  }
0x8e: {  	[smem:$0x3FAD] =	sst s2  }
0x8f: {  	_ = 	snop  }
0x90: {  	s2 =	sld [smem:$0x3FC9];
	(tm) =	ssettm $0x1  }
0x91: {  	s18 =	sld [smem:$0x3FFB];
	_ =	sdelay $0x3  }
0x92: {  	_ =	strace s18  }
0x93: {  	s3 =	sld [smem:$0x3FFC];
	_ =	sdelay $0x3  }
0x94: {  	_ =	strace s3  }
0x95: {  	s3 =	sld [smem:$0x3FFD];
	_ =	sdelay $0x3  }
0x96: {  	_ =	strace s3  }
0x97: {  	_ =	strace $0x8FFFFFFF  }
0x98: {  	s19 =	sld [smem:$0x3FDB];
	_ =	sdelay $0x1  }
0x99: {  	s4 =	simm.s32 $_scs_section_size  }
0x9a: {  	s5 =	simm.s32 $_size__tile_overlayer_lowered;
	s6 =	simm.s32 $_tile_overlayer_lowered  }
0x9b: {  	s22 =	simm.s32 $0x1BFF;
	s21 =	sshll.u32 s6, $0x1;
	s3 =	sadd.s32 s4, s19  }
0x9c: {  	s7 =	simm.s32 $0x0;
	s20 =	sshll.u32 s5, $0x1;
	s5 =	sadd.s32 s21, s3  }
0x9d: {  	[timem:s7], [sflag:s22] =	dma.local [hbm:s5], s20  }
0x9e: {  	_ =	swait.ge [sflag:s22], s20  }
0x9f: {  	s4 =	ssub.s32 $0x0, s20;
	[sflag:s22] =	ssyncset.done $0x0  }
0xa0: {  	[sflag:s22] =	ssyncadd.s32 s4;
	_ =	sdelay $0x1  }
0xa1: {  	s23 =	simm.s32 $0x1B8B  }
0xa2: {  	_ =	swait.ge [sflag:s23], $0x1  }
0xa3: {  	[sflag:s23] =	ssyncset.done $0x0  }
0xa4: {  	s25 =	simm.s32 $0x1B8E;
	s24 =	sld [smem:$0x3FFE];
	[sflag:s23] =	ssyncadd.s32 $0xFFFFFFFF  }
0xa5: {  	s26 =	simm.s32 $execute0_lowered;
	[smem:$0x3FD2] =	sst s25  }
0xa6: {  	s5 =	sshll.u32 s26, $0x1;
	_ =	strace $0x80000046;
	[dreg:$0x1] =	wrdreg $0xFFFFFFFF  }
0xa7: {  	s28 =	simm.s32 $_size_execute0_lowered;
	s3 =	sadd.s32 s3, s5;
	[dreg:$0x0] =	wrdreg $0x0  }
0xa8: {  	s5 =	sshll.u32 s28, $0x1;
	[dreg:$0x2] =	wrdreg s3  }
0xa9: {  	[dreg:$0x3] =	wrdreg s5  }
0xaa: {  	[dreg:$0x4] =	wrdreg $0xC0  }
0xab: {  	_ =	task [dreg:s7], $0x5FFFF  }
0xac: {  	[dreg:$0x1] =	wrdreg $0xFFFFFFFF  }
0xad: {  	[dreg:$0x0] =	wrdreg $0x60  }
0xae: {  	[dreg:$0x2] =	wrdreg s2  }
0xaf: {  	[dreg:$0x3] =	wrdreg s24  }
0xb0: {  	[dreg:$0x4] =	wrdreg $0x9  }
0xb1: {  	_ =	task.clear_ibuf [dreg:s7], $0x5FFFF;
	_ =	strace $0x90000046  }
0xb2: {  	s29 =	simm.s32 $0x9;
	_ =	strace $0x80000048  }
0xb3: {  	_ =	swait.ge [sflag:s29], $0x1  }
0xb4: {  	[sflag:s29] =	ssyncadd.s32 $0xFFFFFFFF  }
0xb5: {  	_ =	strace $0x90000048  }
0xb6: {  	_ =	sfence  }
0xb7: {  	s30 =	sld [smem:$0x0];
	_ =	sdelay $0x2  }
0xb8: {  	s31 =	sshll.u32 s1, $0xD;
	s1 =	sshrl.u32 s1, $0x2  }
0xb9: {  	s3 =	sand.u32 $0x4000, s31;
	s1 =	sadd.s32 s1, s30  }
0xba: {  	s0 =	sor.u32 s3, s0;
	s1 =	sshll.u32 s1, $0x11  }
0xbb: {  	s0 =	sor.u32 s1, s0  }
0xbc: {  	s0 =	sadd.s32 $0x8F2B, s0  }
0xbd: {  	[sflag:s0] =	ssyncadd.remote.s32 $0x1  }
0xbe: {  	_ =	sfence.sel $0xFFFF  }
0xbf: {  	[dreg:$0x0] =	wrdreg $0xFFFFFFFF;
	(pc) =	sbr.abs _section_cstart, $3  }
0xc0: {  	[dreg:$0x1] =	wrdreg $0xFFFFFFFF  }
0xc1: {  	_ =	task.clear_ibuf [dreg:s7], $0x2FFFF;
	_ =	strace $0x9FFFFFFF  }
0xc2: {  	(tm) =	ssettm $0x7FFFFFFF  }
0xc3: {  	_ =	shalt  }
tec
execute0_lowered:
.L_overlay_start_1:
0x0: {  	(tag) =	ssettag $0x1  }
0x1: {  	s1 =	stileid.u32  }
0x2: {  	p0 =	sgt.u32 s1, $0x3  }
.Ltmp0:
0x3: {  	_ = 	snop;
	(pc) =	sbr.rel @p0 .LBB2_4-.Ltmp0, $4  }
0x4: {  	s2 =	rddreg [dreg:$0x0]  }
0x5: {  	s14 =	rddreg [dreg:$0x1];
	s3 =	simm.s32 $0x0  }
0x6: {  	[smem:$0x7FF] =	sst s3  }
0x7: {  	s0 =	rddreg [dreg:$0x2];
	_ =	strace $0x80000047  }
0x8: {  	s4 =	srdreg.scid  }
0x9: {  	s29 =	sshll.u32 s1, $0x1;
	s12 =	sand.u32 $0x1, s4  }
0xa: {  	s5 =	sadd.s32 $0xA4000, s14;
	s15 =	sor.u32 s12, s29  }
0xb: {  	s4 =	simm.s32 $0x2;
	s5 =	sadd.s32 s5, s15  }
0xc: {  	[tilespmem:s3], [sflag:$0x2] =	stream.linear.gather [hbm4b:s5+s3], $0x8, $0x38;
	[tilespmem:$0x2080] =	vst v63  }
0xd: {  	_ =	swait.ge [sflag:s4], $0x8  }
0xe: {  	[sflag:s4] =	ssyncset.done $0x0  }
0xf: {  	[sflag:s4] =	ssyncadd.s32 $0xFFFFFFF8  }
0x10: {  	v0 =	vld.msk [tilespmem:$0x0], $0xff;
	_ =	sdelay $0x4  }
0x11: {  	v1 =	vshll.u32 v0, $0x3  }
0x12: {  	v2 =	vlaneseq.u32;
	v3 =	vand.u32 $0x7, v0;
	v1 =	vand.u32 $0xFFFFFFC0, v1  }
0x13: {  	v0 =	vand.u32 $0x7, v2;
	v2 =	vshrl.u32 v2, $0x3;
	v3 =	vor.u32 v3, v1  }
0x14: {  	v1 =	vmul.u32 $0x8, v2;
	v2 =	vperm.xlane v3, v0;
	_ =	sdelay $0x1  }
0x15: {  	v2 =	vadd.s32 v1, v2;
	_ =	sdelay $0x2  }
0x16: {  	s6 =	simm.s32 $0x80;
	s7 =	sadd.s32 $0x100, s2  }
0x17: {  	vm0 =	vmmov $0xffff;
	s8 =	simm.s32 $0x880;
	s9 =	sadd.s32 $0x200, s2;
	s16 =	ssub.s32 $0x2, s12  }
0x18: {  	[tilespmem:s6], [sflag:$0x1] =	stream.indirect_vreg.gather [hbm4b:s2+s3], $0x80, v2, vm0, $0xb8;
	[tilespmem:$0x2080] =	vst v63  }
0x19: {  	s10 =	sadd.s32 $0x300, s2;
	s11 =	simm.s32 $0x1080;
	s17 =	sshrl.u32 s16, $0x1  }
0x1a: {  	[tilespmem:s8], [sflag:$0x1] =	stream.indirect_vreg.gather [hbm4b:s7+s3], $0x80, v2, vm0, $0xb8;
	[tilespmem:$0x2080] =	vst v63  }
0x1b: {  	s13 =	simm.s32 $0x1;
	s15 =	sshll.u32 s15, $0xA;
	s31 =	ssub.s32 s16, s17  }
0x1c: {  	[tilespmem:s11], [sflag:$0x1] =	stream.indirect_vreg.gather [hbm4b:s9+s3], $0x80, v2, vm0, $0xb8;
	[tilespmem:$0x2080] =	vst v63  }
0x1d: {  	s12 =	simm.s32 $0x1880;
	s30 =	sadd.s32 s15, s14;
	s15 =	smax.u32 s31, $0x1  }
0x1e: {  	[tilespmem:s12], [sflag:$0x1] =	stream.indirect_vreg.gather [hbm4b:s10+s3], $0x80, v2, vm0, $0xb8;
	[tilespmem:$0x2080] =	vst v63  }
0x1f: {  	p0 =	sne.s32 s15, $0x1;
	_ =	swait.ge [sflag:s13], $0x2000  }
.Ltmp1:
0x20: {  	[sflag:s13] =	ssyncset.done $0x0;
	(pc) =	sbr.rel @!p0 .LBB2_3-.Ltmp1, $4  }
0x21: {  	s14 =	sadd.s32 $0xA4200, s30;
	[sflag:s13] =	ssyncadd.s32 $0xFFFFE000  }
0x22: {  	[hbm4b:s14+s3] =	stream.linear.scatter [tilespmem:s6], [sflag:$0x2], $0x2000, $0x38;
	[tilespmem:$0x2080] =	vst v63  }
0x23: {  	_ =	swait.ge [sflag:s4], $0x2000  }
0x24: {  	s15 =	sadd.s32 $0xFFFFFFFF, s15;
	[sflag:s4] =	ssyncset.done $0x0  }
.LBB2_2:
0x25: {  	p0 =	sne.s32 s15, $0x1;
	s15 =	sadd.s32 $0xFFFFFFFF, s15;
	[sflag:s4] =	ssyncadd.s32 $0xFFFFE000  }
0x26: {  	[tilespmem:s3], [sflag:$0x2] =	stream.linear.gather [hbm4b:s5+s3], $0x8, $0x38;
	[tilespmem:$0x2080] =	vst v63  }
0x27: {  	_ =	swait.ge [sflag:s4], $0x8  }
0x28: {  	[sflag:s4] =	ssyncset.done $0x0  }
0x29: {  	[sflag:s4] =	ssyncadd.s32 $0xFFFFFFF8  }
0x2a: {  	v2 =	vld.msk [tilespmem:$0x0], $0xff;
	_ =	sdelay $0x4  }
0x2b: {  	v3 =	vshll.u32 v2, $0x3  }
0x2c: {  	v2 =	vand.u32 $0x7, v2;
	v3 =	vand.u32 $0xFFFFFFC0, v3  }
0x2d: {  	v2 =	vor.u32 v2, v3  }
0x2e: {  	v2 =	vperm.xlane v2, v0;
	_ =	sdelay $0x1  }
0x2f: {  	v2 =	vadd.s32 v1, v2;
	_ =	sdelay $0x4  }
0x30: {  	[tilespmem:s6], [sflag:$0x1] =	stream.indirect_vreg.gather [hbm4b:s2+s3], $0x80, v2, vm0, $0xb8;
	[tilespmem:$0x2080] =	vst v63  }
0x31: {  	_ = 	snop  }
0x32: {  	[tilespmem:s8], [sflag:$0x1] =	stream.indirect_vreg.gather [hbm4b:s7+s3], $0x80, v2, vm0, $0xb8;
	[tilespmem:$0x2080] =	vst v63  }
0x33: {  	_ = 	snop  }
0x34: {  	[tilespmem:s11], [sflag:$0x1] =	stream.indirect_vreg.gather [hbm4b:s9+s3], $0x80, v2, vm0, $0xb8;
	[tilespmem:$0x2080] =	vst v63  }
0x35: {  	_ = 	snop  }
0x36: {  	[tilespmem:s12], [sflag:$0x1] =	stream.indirect_vreg.gather [hbm4b:s10+s3], $0x80, v2, vm0, $0xb8;
	[tilespmem:$0x2080] =	vst v63  }
0x37: {  	_ =	swait.ge [sflag:s13], $0x2000  }
.Ltmp2:
0x38: {  	[sflag:s13] =	ssyncset.done $0x0;
	(pc) =	sbr.rel @p0 .LBB2_2-.Ltmp2, $4  }
0x39: {  	[sflag:s13] =	ssyncadd.s32 $0xFFFFE000  }
0x3a: {  	[hbm4b:s14+s3] =	stream.linear.scatter [tilespmem:s6], [sflag:$0x2], $0x2000, $0x38;
	[tilespmem:$0x2080] =	vst v63  }
0x3b: {  	_ =	swait.ge [sflag:s4], $0x2000  }
0x3c: {  	[sflag:s4] =	ssyncset.done $0x0  }
.LBB2_3:
0x3d: {  	[sflag:s4] =	ssyncadd.s32 $0xFFFFE000  }
.LBB2_4:
0x3e: {  	_ =	sfence.sel $0x180000  }
0x3f: {  	[bflag:$0x0] =	sbarrier.arrive $0xFFFF  }
0x40: {  	p0 =	sne.s32 s1, $0x0;
	_ =	strace $0x90000047  }
0x41: {  	s0 =	sadd.s32 @!p0 $0x100000, s0;
	[bflag:$0x2] =	sbarrier.arrive $0xFFFF  }
0x42: {  	[sflag:s0] =	ssyncadd.tile.s32 @!p0 $0x1;
	_ =	shalt  }
.Lfunc_end2:
_tile_overlayer_lowered:
.L_overlay_start_2:
0x43: {  	(tag) =	ssettag $0x2  }
0x44: {  	s0 =	rddreg [dreg:$0x0];
	s2 =	stileid.u32  }
0x45: {  	s1 =	rddreg [dreg:$0x1];
	p0 =	sne.s32 s2, $0x0  }
0x46: {  	s3 =	rddreg [dreg:$0x2];
	[bflag:$0x3] =	sbarrier.arrive $0xFFFF;
	s2 =	simm.s32 @!p0 $0x1C02  }
0x47: {  	[timem:s3], [sflag:s2] =	dma.local @!p0 [hbm:s0], s1  }
0x48: {  	s0 =	simm.s32 @!p0 $0x2  }
0x49: {  	_ =	swait.ge @!p0 [sflag:s0], s1  }
0x4a: {  	s1 =	ssub.s32 @!p0 $0x0, s1;
	[sflag:s0] =	ssyncset.done @!p0 $0x0  }
0x4b: {  	[sflag:s0] =	ssyncadd.s32 @!p0 s1  }
0x4c: {  	[bflag:$0x3] =	sbarrier.arrive $0xFFFF  }
0x4d: {  	_ =	shalt  }

</sc_bundles>
